<compile_context>
chip_gen: v7x
topology: tpu7x:2x2x1
jax: 0.10.2.dev20260603
libtpu: 0.0.44.dev20260713+nightly
codegen_flags: <defaults>
</compile_context>

<pallas_src>
import jax
from jax import lax
import jax.numpy as jnp
from jax.experimental import pallas as pl
from jax.experimental.pallas import tpu as pltpu
from jax.experimental.pallas import tpu_sc as plsc

NC = 2
NS = 16
NW = NC * NS
W = 128
CHUNK = 160
REP = 32


def kernel(visit_segments, table):
    batch, hist = visit_segments.shape
    vocab, embed = table.shape
    n = batch * hist
    n_win = n // (W * NW)
    n_chunks = n_win // CHUNK

    table_rep = jnp.tile(table, (REP, 1))
    n_win_total = n // W
    lane = jnp.arange(W, dtype=jnp.int32)[None, :]
    win = jnp.arange(n_win_total, dtype=jnp.int32)[:, None]
    spread = ((lane + win) % REP) * vocab
    idx = visit_segments.reshape(n_win_total, W).astype(jnp.int32)
    idx = idx + spread

    scratch = [
        pltpu.VMEM((CHUNK, W), jnp.int32),
        pltpu.VMEM((W, embed), table.dtype),
        pltpu.VMEM((W, embed), table.dtype),
        pltpu.VMEM_SHARED((NS, 2, W, embed), table.dtype),
        pltpu.SemaphoreType.DMA,
        pltpu.SemaphoreType.DMA,
        pltpu.SemaphoreType.DMA,
        pltpu.SemaphoreType.DMA,
    ]

    @pl.kernel(
        out_type=jax.ShapeDtypeStruct((n, embed), table.dtype),
        mesh=plsc.VectorSubcoreMesh(core_axis_name="c", subcore_axis_name="s"),
        scratch_types=scratch,
    )
    def gather_kernel(table_hbm, idx_hbm, out_hbm, idx_v, r0, r1, shared,
                      g0, g1, w0, w1):
        rows = (r0, r1)
        gsem = (g0, g1)
        wsem = (w0, w1)
        sid = lax.axis_index("s")
        wid = sid * NC + lax.axis_index("c")
        base_win = wid * n_win

        def out_slice(g):
            return out_hbm.at[pl.ds((base_win + g) * W, W)]

        def spmem(j):
            return shared.at[sid, j]

        def start_gather(j, r):
            pltpu.async_copy(table_hbm.at[idx_v.at[r]], rows[j], gsem[j])

        def wait_gather(j):
            pltpu.make_async_copy(table_hbm.at[idx_v.at[0]], rows[j],
                                  gsem[j]).wait()

        def xbar_and_write(j, g):
            pltpu.sync_copy(rows[j], spmem(j))
            pltpu.async_copy(spmem(j), out_slice(g), wsem[j])

        def wait_write(j, g):
            pltpu.make_async_copy(spmem(j), out_slice(g), wsem[j]).wait()

        @pl.loop(0, n_chunks)
        def _(c):
            c0 = c * CHUNK
            pltpu.sync_copy(idx_hbm.at[pl.ds(base_win + c0, CHUNK)], idx_v)

            start_gather(0, 0)
            start_gather(1, 1)
            wait_gather(0)
            xbar_and_write(0, c0)
            start_gather(0, 2)
            wait_gather(1)
            xbar_and_write(1, c0 + 1)
            start_gather(1, 3)

            @pl.loop(2, CHUNK - 2, step=2)
            def _(v):
                for j in range(2):
                    g = v + j
                    wait_gather(j)
                    wait_write(j, c0 + g - 2)
                    xbar_and_write(j, c0 + g)
                    start_gather(j, v + 2 + j)

            for j in range(2):
                g = CHUNK - 2 + j
                wait_gather(j)
                wait_write(j, c0 + g - 2)
                xbar_and_write(j, c0 + g)
            for j in range(2):
                wait_write(j, c0 + CHUNK - 2 + j)

    out = gather_kernel(table_rep, idx)
    return out.reshape(batch, hist, embed)

# --- scband reference (transcript-rebuilt; emitter-appended) ---
"""Pipeline reference for scband-visit-embedding-18038862643987 (READ-ONLY COPY).

The authoritative reference and input builder live on the scoring server;
editing this copy changes nothing except your own understanding.
"""

import jax, jax.numpy as jnp
import numpy as np

VOCAB = 1000
EMBED = 128
BATCH = 16384
HIST = 200

def setup_inputs(seed: int = 0) -> dict:
    key = jax.random.key(seed)
    k1, k2 = jax.random.split(key)
    visit_segments = jax.random.randint(k1, (BATCH, HIST), 0, VOCAB, dtype=jnp.int64 if jax.config.jax_enable_x64 else jnp.int32)
    table = jax.random.normal(k2, (VOCAB, EMBED), dtype=jnp.float32)
    return {"visit_segments": visit_segments, "table": table}

def reference(visit_segments, table):
    # nn.Embedding forward: gather rows of the table by index
    return jnp.take(table, visit_segments, axis=0)

if __name__ == "__main__":
    import jax
    _d = setup_inputs()
    print(jax.jit(kernel)(*tuple(_d.values())))

</pallas_src>

<mosaic_0001>
#map = affine_map<(d0, d1) -> (0, 0)>
module attributes {stable_mosaic.version = 14 : i64} {
  func.func @gather_kernel(%arg0: i32, %arg1: i32, %arg2: memref<32000x128xf32, #tpu.memory_space<hbm>>, %arg3: memref<25600x128xi32, #tpu.memory_space<hbm>>, %arg4: memref<3276800x128xf32, #tpu.memory_space<hbm>>, %arg5: memref<160x128xi32, #tpu.memory_space<vmem>>, %arg6: memref<128x128xf32, #tpu.memory_space<vmem>>, %arg7: memref<128x128xf32, #tpu.memory_space<vmem>>, %arg8: memref<16x2x128x128xf32, #tpu.memory_space<vmem_shared>>, %arg9: memref<!tpu.dma_semaphore, #tpu.memory_space<semaphore_mem>>, %arg10: memref<!tpu.dma_semaphore, #tpu.memory_space<semaphore_mem>>, %arg11: memref<!tpu.dma_semaphore, #tpu.memory_space<semaphore_mem>>, %arg12: memref<!tpu.dma_semaphore, #tpu.memory_space<semaphore_mem>>) attributes {dimension_semantics = [#tpu.dimension_semantics<core_parallel>, #tpu.dimension_semantics<subcore_parallel>], iteration_bounds = array<i64: 2, 16>, scalar_prefetch = 0 : i64, scratch_operands = 8 : i64, tpu.core_type = #tpu.core_type<sc_vector_subcore>, window_params = [{transform_indices = #map}, {transform_indices = #map}, {transform_indices = #map}]} {
    %mul3A = arith.constant 2 : i32
    %mul3A_0 = arith.muli %arg1, %mul3A : i32
    %add3A = arith.addi %mul3A_0, %arg0 : i32
    %mul3A_1 = arith.constant 800 : i32
    %mul3A_2 = arith.muli %add3A, %mul3A_1 : i32
    %scan3A = arith.constant 0 : i32
    %scan3A_3 = arith.constant 5 : i32
    %scan3A_4 = arith.addi %scan3A, %scan3A_3 : i32
    %scan3A_5 = arith.constant 1 : i32
    scf.for %scan3A_7 = %scan3A to %scan3A_4 step %scan3A_5  : i32 {
      %mul3A_8 = arith.constant 1 : i32
      %mul3A_9 = arith.muli %scan3A_7, %mul3A_8 : i32
      %add3A_10 = arith.constant 0 : i32
      %add3A_11 = arith.addi %add3A_10, %mul3A_9 : i32
      %mul3A_12 = arith.constant 160 : i32
      %mul3A_13 = arith.muli %add3A_11, %mul3A_12 : i32
      %add3A_14 = arith.addi %mul3A_2, %mul3A_13 : i32
      "tpu.region"() ({
        %run_scoped3A_182 = tpu.sem_alloc : memref<!tpu.dma_semaphore, #tpu.memory_space<semaphore_mem>>
        %dma_start3A_183 = arith.constant 0 : i32
        %dma_start3A_184 = tpu.memref_slice %arg3[%add3A_14, %dma_start3A_183] : memref<25600x128xi32, #tpu.memory_space<hbm>> -> memref<160x128xi32, #tpu.memory_space<hbm>>
        %dma_start3A_185 = arith.constant 0 : i32
        %dma_start3A_186 = tpu.memref_slice %arg3[%add3A_14, %dma_start3A_185] : memref<25600x128xi32, #tpu.memory_space<hbm>> -> memref<160x128xi32, #tpu.memory_space<hbm>>
        tpu.enqueue_dma source(%dma_start3A_186 : memref<160x128xi32, #tpu.memory_space<hbm>>) target(%arg5 : memref<160x128xi32, #tpu.memory_space<vmem>>) target_semaphore(%run_scoped3A_182 : memref<!tpu.dma_semaphore, #tpu.memory_space<semaphore_mem>>)
        %dma_wait3A_187 = arith.constant 0 : i32
        %dma_wait3A_188 = tpu.memref_slice %arg3[%add3A_14, %dma_wait3A_187] : memref<25600x128xi32, #tpu.memory_space<hbm>> -> memref<160x128xi32, #tpu.memory_space<hbm>>
        %dma_wait3A_189 = arith.constant 0 : i32
        %dma_wait3A_190 = tpu.memref_slice %arg3[%add3A_14, %dma_wait3A_189] : memref<25600x128xi32, #tpu.memory_space<hbm>> -> memref<160x128xi32, #tpu.memory_space<hbm>>
        tpu.wait_dma2 semaphore(%run_scoped3A_182 : memref<!tpu.dma_semaphore, #tpu.memory_space<semaphore_mem>>) src(%dma_wait3A_190 : memref<160x128xi32, #tpu.memory_space<hbm>>) dst(%arg5 : memref<160x128xi32, #tpu.memory_space<vmem>>)
        tpu.yield
      }) : () -> ()
      %dma_start3A = arith.constant 0 : i32
      %dma_start3A_15 = arith.constant 0 : i32
      %dma_start3A_16 = tpu.memref_slice %arg5[%dma_start3A, %dma_start3A_15] : memref<160x128xi32, #tpu.memory_space<vmem>> -> memref<1x128xi32, #tpu.memory_space<vmem>>
      %dma_start3A_17 = tpu.memref_squeeze %dma_start3A_16 : memref<1x128xi32, #tpu.memory_space<vmem>> -> memref<128xi32, #tpu.memory_space<vmem>>
      %dma_start3A_18 = arith.constant 0 : i32
      %dma_start3A_19 = arith.constant 0 : i32
      %dma_start3A_20 = tpu.memref_slice %arg2[%dma_start3A_18, %dma_start3A_19] : memref<32000x128xf32, #tpu.memory_space<hbm>> -> memref<32000x128xf32, #tpu.memory_space<hbm>>
      tpu.enqueue_indirect_dma source(%dma_start3A_20 : memref<32000x128xf32, #tpu.memory_space<hbm>>) target(%arg6 : memref<128x128xf32, #tpu.memory_space<vmem>>) offsets(%dma_start3A_17 : memref<128xi32, #tpu.memory_space<vmem>>) semaphore(%arg9 : memref<!tpu.dma_semaphore, #tpu.memory_space<semaphore_mem>>)
      %dma_start3A_21 = arith.constant 1 : i32
      %dma_start3A_22 = arith.constant 0 : i32
      %dma_start3A_23 = tpu.memref_slice %arg5[%dma_start3A_21, %dma_start3A_22] : memref<160x128xi32, #tpu.memory_space<vmem>> -> memref<1x128xi32, #tpu.memory_space<vmem>>
      %dma_start3A_24 = tpu.memref_squeeze %dma_start3A_23 : memref<1x128xi32, #tpu.memory_space<vmem>> -> memref<128xi32, #tpu.memory_space<vmem>>
      %dma_start3A_25 = arith.constant 0 : i32
      %dma_start3A_26 = arith.constant 0 : i32
      %dma_start3A_27 = tpu.memref_slice %arg2[%dma_start3A_25, %dma_start3A_26] : memref<32000x128xf32, #tpu.memory_space<hbm>> -> memref<32000x128xf32, #tpu.memory_space<hbm>>
      tpu.enqueue_indirect_dma source(%dma_start3A_27 : memref<32000x128xf32, #tpu.memory_space<hbm>>) target(%arg7 : memref<128x128xf32, #tpu.memory_space<vmem>>) offsets(%dma_start3A_24 : memref<128xi32, #tpu.memory_space<vmem>>) semaphore(%arg10 : memref<!tpu.dma_semaphore, #tpu.memory_space<semaphore_mem>>)
      %dma_wait3A = arith.constant 0 : i32
      %dma_wait3A_28 = arith.constant 0 : i32
      %dma_wait3A_29 = tpu.memref_slice %arg5[%dma_wait3A, %dma_wait3A_28] : memref<160x128xi32, #tpu.memory_space<vmem>> -> memref<1x128xi32, #tpu.memory_space<vmem>>
      %dma_wait3A_30 = tpu.memref_squeeze %dma_wait3A_29 : memref<1x128xi32, #tpu.memory_space<vmem>> -> memref<128xi32, #tpu.memory_space<vmem>>
      %dma_wait3A_31 = arith.constant 0 : i32
      %dma_wait3A_32 = arith.constant 0 : i32
      %dma_wait3A_33 = tpu.memref_slice %arg2[%dma_wait3A_31, %dma_wait3A_32] : memref<32000x128xf32, #tpu.memory_space<hbm>> -> memref<32000x128xf32, #tpu.memory_space<hbm>>
      tpu.wait_indirect_dma semaphore(%arg9 : memref<!tpu.dma_semaphore, #tpu.memory_space<semaphore_mem>>) src(%dma_wait3A_33 : memref<32000x128xf32, #tpu.memory_space<hbm>>) dst(%arg6 : memref<128x128xf32, #tpu.memory_space<vmem>>)
      %run_scoped3A = arith.constant 0 : i32
      "tpu.region"() ({
        %run_scoped3A_182 = tpu.sem_alloc : memref<!tpu.dma_semaphore, #tpu.memory_space<semaphore_mem>>
        %dma_start3A_183 = arith.constant 0 : i32
        %dma_start3A_184 = arith.constant 0 : i32
        %dma_start3A_185 = tpu.memref_slice %arg8[%arg1, %run_scoped3A, %dma_start3A_183, %dma_start3A_184] : memref<16x2x128x128xf32, #tpu.memory_space<vmem_shared>> -> memref<1x1x128x128xf32, #tpu.memory_space<vmem_shared>>
        %dma_start3A_186 = tpu.memref_squeeze %dma_start3A_185 : memref<1x1x128x128xf32, #tpu.memory_space<vmem_shared>> -> memref<128x128xf32, #tpu.memory_space<vmem_shared>>
        %dma_start3A_187 = arith.constant 0 : i32
        %dma_start3A_188 = arith.constant 0 : i32
        %dma_start3A_189 = tpu.memref_slice %arg8[%arg1, %run_scoped3A, %dma_start3A_187, %dma_start3A_188] : memref<16x2x128x128xf32, #tpu.memory_space<vmem_shared>> -> memref<1x1x128x128xf32, #tpu.memory_space<vmem_shared>>
        %dma_start3A_190 = tpu.memref_squeeze %dma_start3A_189 : memref<1x1x128x128xf32, #tpu.memory_space<vmem_shared>> -> memref<128x128xf32, #tpu.memory_space<vmem_shared>>
        tpu.enqueue_dma source(%arg6 : memref<128x128xf32, #tpu.memory_space<vmem>>) target(%dma_start3A_190 : memref<128x128xf32, #tpu.memory_space<vmem_shared>>) target_semaphore(%run_scoped3A_182 : memref<!tpu.dma_semaphore, #tpu.memory_space<semaphore_mem>>)
        %dma_wait3A_191 = arith.constant 0 : i32
        %dma_wait3A_192 = arith.constant 0 : i32
        %dma_wait3A_193 = tpu.memref_slice %arg8[%arg1, %run_scoped3A, %dma_wait3A_191, %dma_wait3A_192] : memref<16x2x128x128xf32, #tpu.memory_space<vmem_shared>> -> memref<1x1x128x128xf32, #tpu.memory_space<vmem_shared>>
        %dma_wait3A_194 = tpu.memref_squeeze %dma_wait3A_193 : memref<1x1x128x128xf32, #tpu.memory_space<vmem_shared>> -> memref<128x128xf32, #tpu.memory_space<vmem_shared>>
        %dma_wait3A_195 = arith.constant 0 : i32
        %dma_wait3A_196 = arith.constant 0 : i32
        %dma_wait3A_197 = tpu.memref_slice %arg8[%arg1, %run_scoped3A, %dma_wait3A_195, %dma_wait3A_196] : memref<16x2x128x128xf32, #tpu.memory_space<vmem_shared>> -> memref<1x1x128x128xf32, #tpu.memory_space<vmem_shared>>
        %dma_wait3A_198 = tpu.memref_squeeze %dma_wait3A_197 : memref<1x1x128x128xf32, #tpu.memory_space<vmem_shared>> -> memref<128x128xf32, #tpu.memory_space<vmem_shared>>
        tpu.wait_dma2 semaphore(%run_scoped3A_182 : memref<!tpu.dma_semaphore, #tpu.memory_space<semaphore_mem>>) src(%arg6 : memref<128x128xf32, #tpu.memory_space<vmem>>) dst(%dma_wait3A_198 : memref<128x128xf32, #tpu.memory_space<vmem_shared>>)
        tpu.yield
      }) : () -> ()
      %add3A_34 = arith.addi %mul3A_2, %mul3A_13 : i32
      %mul3A_35 = arith.constant 128 : i32
      %mul3A_36 = arith.muli %add3A_34, %mul3A_35 : i32
      %dma_start3A_37 = arith.constant 0 : i32
      %dma_start3A_38 = arith.constant 0 : i32
      %dma_start3A_39 = tpu.memref_slice %arg4[%mul3A_36, %dma_start3A_38] : memref<3276800x128xf32, #tpu.memory_space<hbm>> -> memref<128x128xf32, #tpu.memory_space<hbm>>
      %dma_start3A_40 = arith.constant 0 : i32
      %dma_start3A_41 = arith.constant 0 : i32
      %dma_start3A_42 = tpu.memref_slice %arg8[%arg1, %dma_start3A_37, %dma_start3A_40, %dma_start3A_41] : memref<16x2x128x128xf32, #tpu.memory_space<vmem_shared>> -> memref<1x1x128x128xf32, #tpu.memory_space<vmem_shared>>
      %dma_start3A_43 = tpu.memref_squeeze %dma_start3A_42 : memref<1x1x128x128xf32, #tpu.memory_space<vmem_shared>> -> memref<128x128xf32, #tpu.memory_space<vmem_shared>>
      tpu.enqueue_dma source(%dma_start3A_43 : memref<128x128xf32, #tpu.memory_space<vmem_shared>>) target(%dma_start3A_39 : memref<128x128xf32, #tpu.memory_space<hbm>>) target_semaphore(%arg11 : memref<!tpu.dma_semaphore, #tpu.memory_space<semaphore_mem>>)
      %dma_start3A_44 = arith.constant 2 : i32
      %dma_start3A_45 = arith.constant 0 : i32
      %dma_start3A_46 = tpu.memref_slice %arg5[%dma_start3A_44, %dma_start3A_45] : memref<160x128xi32, #tpu.memory_space<vmem>> -> memref<1x128xi32, #tpu.memory_space<vmem>>
      %dma_start3A_47 = tpu.memref_squeeze %dma_start3A_46 : memref<1x128xi32, #tpu.memory_space<vmem>> -> memref<128xi32, #tpu.memory_space<vmem>>
      %dma_start3A_48 = arith.constant 0 : i32
      %dma_start3A_49 = arith.constant 0 : i32
      %dma_start3A_50 = tpu.memref_slice %arg2[%dma_start3A_48, %dma_start3A_49] : memref<32000x128xf32, #tpu.memory_space<hbm>> -> memref<32000x128xf32, #tpu.memory_space<hbm>>
      tpu.enqueue_indirect_dma source(%dma_start3A_50 : memref<32000x128xf32, #tpu.memory_space<hbm>>) target(%arg6 : memref<128x128xf32, #tpu.memory_space<vmem>>) offsets(%dma_start3A_47 : memref<128xi32, #tpu.memory_space<vmem>>) semaphore(%arg9 : memref<!tpu.dma_semaphore, #tpu.memory_space<semaphore_mem>>)
      %dma_wait3A_51 = arith.constant 0 : i32
      %dma_wait3A_52 = arith.constant 0 : i32
      %dma_wait3A_53 = tpu.memref_slice %arg5[%dma_wait3A_51, %dma_wait3A_52] : memref<160x128xi32, #tpu.memory_space<vmem>> -> memref<1x128xi32, #tpu.memory_space<vmem>>
      %dma_wait3A_54 = tpu.memref_squeeze %dma_wait3A_53 : memref<1x128xi32, #tpu.memory_space<vmem>> -> memref<128xi32, #tpu.memory_space<vmem>>
      %dma_wait3A_55 = arith.constant 0 : i32
      %dma_wait3A_56 = arith.constant 0 : i32
      %dma_wait3A_57 = tpu.memref_slice %arg2[%dma_wait3A_55, %dma_wait3A_56] : memref<32000x128xf32, #tpu.memory_space<hbm>> -> memref<32000x128xf32, #tpu.memory_space<hbm>>
      tpu.wait_indirect_dma semaphore(%arg10 : memref<!tpu.dma_semaphore, #tpu.memory_space<semaphore_mem>>) src(%dma_wait3A_57 : memref<32000x128xf32, #tpu.memory_space<hbm>>) dst(%arg7 : memref<128x128xf32, #tpu.memory_space<vmem>>)
      %add3A_58 = arith.constant 1 : i32
      %add3A_59 = arith.addi %mul3A_13, %add3A_58 : i32
      %run_scoped3A_60 = arith.constant 1 : i32
      "tpu.region"() ({
        %run_scoped3A_182 = tpu.sem_alloc : memref<!tpu.dma_semaphore, #tpu.memory_space<semaphore_mem>>
        %dma_start3A_183 = arith.constant 0 : i32
        %dma_start3A_184 = arith.constant 0 : i32
        %dma_start3A_185 = tpu.memref_slice %arg8[%arg1, %run_scoped3A_60, %dma_start3A_183, %dma_start3A_184] : memref<16x2x128x128xf32, #tpu.memory_space<vmem_shared>> -> memref<1x1x128x128xf32, #tpu.memory_space<vmem_shared>>
        %dma_start3A_186 = tpu.memref_squeeze %dma_start3A_185 : memref<1x1x128x128xf32, #tpu.memory_space<vmem_shared>> -> memref<128x128xf32, #tpu.memory_space<vmem_shared>>
        %dma_start3A_187 = arith.constant 0 : i32
        %dma_start3A_188 = arith.constant 0 : i32
        %dma_start3A_189 = tpu.memref_slice %arg8[%arg1, %run_scoped3A_60, %dma_start3A_187, %dma_start3A_188] : memref<16x2x128x128xf32, #tpu.memory_space<vmem_shared>> -> memref<1x1x128x128xf32, #tpu.memory_space<vmem_shared>>
        %dma_start3A_190 = tpu.memref_squeeze %dma_start3A_189 : memref<1x1x128x128xf32, #tpu.memory_space<vmem_shared>> -> memref<128x128xf32, #tpu.memory_space<vmem_shared>>
        tpu.enqueue_dma source(%arg7 : memref<128x128xf32, #tpu.memory_space<vmem>>) target(%dma_start3A_190 : memref<128x128xf32, #tpu.memory_space<vmem_shared>>) target_semaphore(%run_scoped3A_182 : memref<!tpu.dma_semaphore, #tpu.memory_space<semaphore_mem>>)
        %dma_wait3A_191 = arith.constant 0 : i32
        %dma_wait3A_192 = arith.constant 0 : i32
        %dma_wait3A_193 = tpu.memref_slice %arg8[%arg1, %run_scoped3A_60, %dma_wait3A_191, %dma_wait3A_192] : memref<16x2x128x128xf32, #tpu.memory_space<vmem_shared>> -> memref<1x1x128x128xf32, #tpu.memory_space<vmem_shared>>
        %dma_wait3A_194 = tpu.memref_squeeze %dma_wait3A_193 : memref<1x1x128x128xf32, #tpu.memory_space<vmem_shared>> -> memref<128x128xf32, #tpu.memory_space<vmem_shared>>
        %dma_wait3A_195 = arith.constant 0 : i32
        %dma_wait3A_196 = arith.constant 0 : i32
        %dma_wait3A_197 = tpu.memref_slice %arg8[%arg1, %run_scoped3A_60, %dma_wait3A_195, %dma_wait3A_196] : memref<16x2x128x128xf32, #tpu.memory_space<vmem_shared>> -> memref<1x1x128x128xf32, #tpu.memory_space<vmem_shared>>
        %dma_wait3A_198 = tpu.memref_squeeze %dma_wait3A_197 : memref<1x1x128x128xf32, #tpu.memory_space<vmem_shared>> -> memref<128x128xf32, #tpu.memory_space<vmem_shared>>
        tpu.wait_dma2 semaphore(%run_scoped3A_182 : memref<!tpu.dma_semaphore, #tpu.memory_space<semaphore_mem>>) src(%arg7 : memref<128x128xf32, #tpu.memory_space<vmem>>) dst(%dma_wait3A_198 : memref<128x128xf32, #tpu.memory_space<vmem_shared>>)
        tpu.yield
      }) : () -> ()
      %add3A_61 = arith.addi %mul3A_2, %add3A_59 : i32
      %mul3A_62 = arith.constant 128 : i32
      %mul3A_63 = arith.muli %add3A_61, %mul3A_62 : i32
      %dma_start3A_64 = arith.constant 1 : i32
      %dma_start3A_65 = arith.constant 0 : i32
      %dma_start3A_66 = tpu.memref_slice %arg4[%mul3A_63, %dma_start3A_65] : memref<3276800x128xf32, #tpu.memory_space<hbm>> -> memref<128x128xf32, #tpu.memory_space<hbm>>
      %dma_start3A_67 = arith.constant 0 : i32
      %dma_start3A_68 = arith.constant 0 : i32
      %dma_start3A_69 = tpu.memref_slice %arg8[%arg1, %dma_start3A_64, %dma_start3A_67, %dma_start3A_68] : memref<16x2x128x128xf32, #tpu.memory_space<vmem_shared>> -> memref<1x1x128x128xf32, #tpu.memory_space<vmem_shared>>
      %dma_start3A_70 = tpu.memref_squeeze %dma_start3A_69 : memref<1x1x128x128xf32, #tpu.memory_space<vmem_shared>> -> memref<128x128xf32, #tpu.memory_space<vmem_shared>>
      tpu.enqueue_dma source(%dma_start3A_70 : memref<128x128xf32, #tpu.memory_space<vmem_shared>>) target(%dma_start3A_66 : memref<128x128xf32, #tpu.memory_space<hbm>>) target_semaphore(%arg12 : memref<!tpu.dma_semaphore, #tpu.memory_space<semaphore_mem>>)
      %dma_start3A_71 = arith.constant 3 : i32
      %dma_start3A_72 = arith.constant 0 : i32
      %dma_start3A_73 = tpu.memref_slice %arg5[%dma_start3A_71, %dma_start3A_72] : memref<160x128xi32, #tpu.memory_space<vmem>> -> memref<1x128xi32, #tpu.memory_space<vmem>>
      %dma_start3A_74 = tpu.memref_squeeze %dma_start3A_73 : memref<1x128xi32, #tpu.memory_space<vmem>> -> memref<128xi32, #tpu.memory_space<vmem>>
      %dma_start3A_75 = arith.constant 0 : i32
      %dma_start3A_76 = arith.constant 0 : i32
      %dma_start3A_77 = tpu.memref_slice %arg2[%dma_start3A_75, %dma_start3A_76] : memref<32000x128xf32, #tpu.memory_space<hbm>> -> memref<32000x128xf32, #tpu.memory_space<hbm>>
      tpu.enqueue_indirect_dma source(%dma_start3A_77 : memref<32000x128xf32, #tpu.memory_space<hbm>>) target(%arg7 : memref<128x128xf32, #tpu.memory_space<vmem>>) offsets(%dma_start3A_74 : memref<128xi32, #tpu.memory_space<vmem>>) semaphore(%arg10 : memref<!tpu.dma_semaphore, #tpu.memory_space<semaphore_mem>>)
      %scan3A_78 = arith.constant 0 : i32
      %scan3A_79 = arith.constant 78 : i32
      %scan3A_80 = arith.addi %scan3A_78, %scan3A_79 : i32
      %scan3A_81 = arith.constant 1 : i32
      scf.for %scan3A_182 = %scan3A_78 to %scan3A_80 step %scan3A_81  : i32 {
        %mul3A_183 = arith.constant 2 : i32
        %mul3A_184 = arith.muli %scan3A_182, %mul3A_183 : i32
        %add3A_185 = arith.constant 2 : i32
        %add3A_186 = arith.addi %add3A_185, %mul3A_184 : i32
        %add3A_187 = arith.constant 0 : i32
        %add3A_188 = arith.addi %add3A_186, %add3A_187 : i32
        %dma_wait3A_189 = arith.constant 0 : i32
        %dma_wait3A_190 = arith.constant 0 : i32
        %dma_wait3A_191 = tpu.memref_slice %arg5[%dma_wait3A_189, %dma_wait3A_190] : memref<160x128xi32, #tpu.memory_space<vmem>> -> memref<1x128xi32, #tpu.memory_space<vmem>>
        %dma_wait3A_192 = tpu.memref_squeeze %dma_wait3A_191 : memref<1x128xi32, #tpu.memory_space<vmem>> -> memref<128xi32, #tpu.memory_space<vmem>>
        %dma_wait3A_193 = arith.constant 0 : i32
        %dma_wait3A_194 = arith.constant 0 : i32
        %dma_wait3A_195 = tpu.memref_slice %arg2[%dma_wait3A_193, %dma_wait3A_194] : memref<32000x128xf32, #tpu.memory_space<hbm>> -> memref<32000x128xf32, #tpu.memory_space<hbm>>
        tpu.wait_indirect_dma semaphore(%arg9 : memref<!tpu.dma_semaphore, #tpu.memory_space<semaphore_mem>>) src(%dma_wait3A_195 : memref<32000x128xf32, #tpu.memory_space<hbm>>) dst(%arg6 : memref<128x128xf32, #tpu.memory_space<vmem>>)
        %add3A_196 = arith.addi %mul3A_13, %add3A_188 : i32
        %sub3A_197 = arith.constant 2 : i32
        %sub3A_198 = arith.subi %add3A_196, %sub3A_197 : i32
        %add3A_199 = arith.addi %mul3A_2, %sub3A_198 : i32
        %mul3A_200 = arith.constant 128 : i32
        %mul3A_201 = arith.muli %add3A_199, %mul3A_200 : i32
        %dma_wait3A_202 = arith.constant 0 : i32
        %dma_wait3A_203 = arith.constant 0 : i32
        %dma_wait3A_204 = tpu.memref_slice %arg4[%mul3A_201, %dma_wait3A_203] : memref<3276800x128xf32, #tpu.memory_space<hbm>> -> memref<128x128xf32, #tpu.memory_space<hbm>>
        %dma_wait3A_205 = arith.constant 0 : i32
        %dma_wait3A_206 = arith.constant 0 : i32
        %dma_wait3A_207 = tpu.memref_slice %arg8[%arg1, %dma_wait3A_202, %dma_wait3A_205, %dma_wait3A_206] : memref<16x2x128x128xf32, #tpu.memory_space<vmem_shared>> -> memref<1x1x128x128xf32, #tpu.memory_space<vmem_shared>>
        %dma_wait3A_208 = tpu.memref_squeeze %dma_wait3A_207 : memref<1x1x128x128xf32, #tpu.memory_space<vmem_shared>> -> memref<128x128xf32, #tpu.memory_space<vmem_shared>>
        tpu.wait_dma2 semaphore(%arg11 : memref<!tpu.dma_semaphore, #tpu.memory_space<semaphore_mem>>) src(%dma_wait3A_208 : memref<128x128xf32, #tpu.memory_space<vmem_shared>>) dst(%dma_wait3A_204 : memref<128x128xf32, #tpu.memory_space<hbm>>)
        %add3A_209 = arith.addi %mul3A_13, %add3A_188 : i32
        %run_scoped3A_210 = arith.constant 0 : i32
        "tpu.region"() ({
          %run_scoped3A_275 = tpu.sem_alloc : memref<!tpu.dma_semaphore, #tpu.memory_space<semaphore_mem>>
          %dma_start3A_276 = arith.constant 0 : i32
          %dma_start3A_277 = arith.constant 0 : i32
          %dma_start3A_278 = tpu.memref_slice %arg8[%arg1, %run_scoped3A_210, %dma_start3A_276, %dma_start3A_277] : memref<16x2x128x128xf32, #tpu.memory_space<vmem_shared>> -> memref<1x1x128x128xf32, #tpu.memory_space<vmem_shared>>
          %dma_start3A_279 = tpu.memref_squeeze %dma_start3A_278 : memref<1x1x128x128xf32, #tpu.memory_space<vmem_shared>> -> memref<128x128xf32, #tpu.memory_space<vmem_shared>>
          %dma_start3A_280 = arith.constant 0 : i32
          %dma_start3A_281 = arith.constant 0 : i32
          %dma_start3A_282 = tpu.memref_slice %arg8[%arg1, %run_scoped3A_210, %dma_start3A_280, %dma_start3A_281] : memref<16x2x128x128xf32, #tpu.memory_space<vmem_shared>> -> memref<1x1x128x128xf32, #tpu.memory_space<vmem_shared>>
          %dma_start3A_283 = tpu.memref_squeeze %dma_start3A_282 : memref<1x1x128x128xf32, #tpu.memory_space<vmem_shared>> -> memref<128x128xf32, #tpu.memory_space<vmem_shared>>
          tpu.enqueue_dma source(%arg6 : memref<128x128xf32, #tpu.memory_space<vmem>>) target(%dma_start3A_283 : memref<128x128xf32, #tpu.memory_space<vmem_shared>>) target_semaphore(%run_scoped3A_275 : memref<!tpu.dma_semaphore, #tpu.memory_space<semaphore_mem>>)
          %dma_wait3A_284 = arith.constant 0 : i32
          %dma_wait3A_285 = arith.constant 0 : i32
          %dma_wait3A_286 = tpu.memref_slice %arg8[%arg1, %run_scoped3A_210, %dma_wait3A_284, %dma_wait3A_285] : memref<16x2x128x128xf32, #tpu.memory_space<vmem_shared>> -> memref<1x1x128x128xf32, #tpu.memory_space<vmem_shared>>
          %dma_wait3A_287 = tpu.memref_squeeze %dma_wait3A_286 : memref<1x1x128x128xf32, #tpu.memory_space<vmem_shared>> -> memref<128x128xf32, #tpu.memory_space<vmem_shared>>
          %dma_wait3A_288 = arith.constant 0 : i32
          %dma_wait3A_289 = arith.constant 0 : i32
          %dma_wait3A_290 = tpu.memref_slice %arg8[%arg1, %run_scoped3A_210, %dma_wait3A_288, %dma_wait3A_289] : memref<16x2x128x128xf32, #tpu.memory_space<vmem_shared>> -> memref<1x1x128x128xf32, #tpu.memory_space<vmem_shared>>
          %dma_wait3A_291 = tpu.memref_squeeze %dma_wait3A_290 : memref<1x1x128x128xf32, #tpu.memory_space<vmem_shared>> -> memref<128x128xf32, #tpu.memory_space<vmem_shared>>
          tpu.wait_dma2 semaphore(%run_scoped3A_275 : memref<!tpu.dma_semaphore, #tpu.memory_space<semaphore_mem>>) src(%arg6 : memref<128x128xf32, #tpu.memory_space<vmem>>) dst(%dma_wait3A_291 : memref<128x128xf32, #tpu.memory_space<vmem_shared>>)
          tpu.yield
        }) : () -> ()
        %add3A_211 = arith.addi %mul3A_2, %add3A_209 : i32
        %mul3A_212 = arith.constant 128 : i32
        %mul3A_213 = arith.muli %add3A_211, %mul3A_212 : i32
        %dma_start3A_214 = arith.constant 0 : i32
        %dma_start3A_215 = arith.constant 0 : i32
        %dma_start3A_216 = tpu.memref_slice %arg4[%mul3A_213, %dma_start3A_215] : memref<3276800x128xf32, #tpu.memory_space<hbm>> -> memref<128x128xf32, #tpu.memory_space<hbm>>
        %dma_start3A_217 = arith.constant 0 : i32
        %dma_start3A_218 = arith.constant 0 : i32
        %dma_start3A_219 = tpu.memref_slice %arg8[%arg1, %dma_start3A_214, %dma_start3A_217, %dma_start3A_218] : memref<16x2x128x128xf32, #tpu.memory_space<vmem_shared>> -> memref<1x1x128x128xf32, #tpu.memory_space<vmem_shared>>
        %dma_start3A_220 = tpu.memref_squeeze %dma_start3A_219 : memref<1x1x128x128xf32, #tpu.memory_space<vmem_shared>> -> memref<128x128xf32, #tpu.memory_space<vmem_shared>>
        tpu.enqueue_dma source(%dma_start3A_220 : memref<128x128xf32, #tpu.memory_space<vmem_shared>>) target(%dma_start3A_216 : memref<128x128xf32, #tpu.memory_space<hbm>>) target_semaphore(%arg11 : memref<!tpu.dma_semaphore, #tpu.memory_space<semaphore_mem>>)
        %add3A_221 = arith.constant 2 : i32
        %add3A_222 = arith.addi %add3A_186, %add3A_221 : i32
        %add3A_223 = arith.constant 0 : i32
        %add3A_224 = arith.addi %add3A_222, %add3A_223 : i32
        %dma_start3A_225 = arith.constant 0 : i32
        %dma_start3A_226 = tpu.memref_slice %arg5[%add3A_224, %dma_start3A_225] : memref<160x128xi32, #tpu.memory_space<vmem>> -> memref<1x128xi32, #tpu.memory_space<vmem>>
        %dma_start3A_227 = tpu.memref_squeeze %dma_start3A_226 : memref<1x128xi32, #tpu.memory_space<vmem>> -> memref<128xi32, #tpu.memory_space<vmem>>
        %dma_start3A_228 = arith.constant 0 : i32
        %dma_start3A_229 = arith.constant 0 : i32
        %dma_start3A_230 = tpu.memref_slice %arg2[%dma_start3A_228, %dma_start3A_229] : memref<32000x128xf32, #tpu.memory_space<hbm>> -> memref<32000x128xf32, #tpu.memory_space<hbm>>
        tpu.enqueue_indirect_dma source(%dma_start3A_230 : memref<32000x128xf32, #tpu.memory_space<hbm>>) target(%arg6 : memref<128x128xf32, #tpu.memory_space<vmem>>) offsets(%dma_start3A_227 : memref<128xi32, #tpu.memory_space<vmem>>) semaphore(%arg9 : memref<!tpu.dma_semaphore, #tpu.memory_space<semaphore_mem>>)
        %add3A_231 = arith.constant 1 : i32
        %add3A_232 = arith.addi %add3A_186, %add3A_231 : i32
        %dma_wait3A_233 = arith.constant 0 : i32
        %dma_wait3A_234 = arith.constant 0 : i32
        %dma_wait3A_235 = tpu.memref_slice %arg5[%dma_wait3A_233, %dma_wait3A_234] : memref<160x128xi32, #tpu.memory_space<vmem>> -> memref<1x128xi32, #tpu.memory_space<vmem>>
        %dma_wait3A_236 = tpu.memref_squeeze %dma_wait3A_235 : memref<1x128xi32, #tpu.memory_space<vmem>> -> memref<128xi32, #tpu.memory_space<vmem>>
        %dma_wait3A_237 = arith.constant 0 : i32
        %dma_wait3A_238 = arith.constant 0 : i32
        %dma_wait3A_239 = tpu.memref_slice %arg2[%dma_wait3A_237, %dma_wait3A_238] : memref<32000x128xf32, #tpu.memory_space<hbm>> -> memref<32000x128xf32, #tpu.memory_space<hbm>>
        tpu.wait_indirect_dma semaphore(%arg10 : memref<!tpu.dma_semaphore, #tpu.memory_space<semaphore_mem>>) src(%dma_wait3A_239 : memref<32000x128xf32, #tpu.memory_space<hbm>>) dst(%arg7 : memref<128x128xf32, #tpu.memory_space<vmem>>)
        %add3A_240 = arith.addi %mul3A_13, %add3A_232 : i32
        %sub3A_241 = arith.constant 2 : i32
        %sub3A_242 = arith.subi %add3A_240, %sub3A_241 : i32
        %add3A_243 = arith.addi %mul3A_2, %sub3A_242 : i32
        %mul3A_244 = arith.constant 128 : i32
        %mul3A_245 = arith.muli %add3A_243, %mul3A_244 : i32
        %dma_wait3A_246 = arith.constant 1 : i32
        %dma_wait3A_247 = arith.constant 0 : i32
        %dma_wait3A_248 = tpu.memref_slice %arg4[%mul3A_245, %dma_wait3A_247] : memref<3276800x128xf32, #tpu.memory_space<hbm>> -> memref<128x128xf32, #tpu.memory_space<hbm>>
        %dma_wait3A_249 = arith.constant 0 : i32
        %dma_wait3A_250 = arith.constant 0 : i32
        %dma_wait3A_251 = tpu.memref_slice %arg8[%arg1, %dma_wait3A_246, %dma_wait3A_249, %dma_wait3A_250] : memref<16x2x128x128xf32, #tpu.memory_space<vmem_shared>> -> memref<1x1x128x128xf32, #tpu.memory_space<vmem_shared>>
        %dma_wait3A_252 = tpu.memref_squeeze %dma_wait3A_251 : memref<1x1x128x128xf32, #tpu.memory_space<vmem_shared>> -> memref<128x128xf32, #tpu.memory_space<vmem_shared>>
        tpu.wait_dma2 semaphore(%arg12 : memref<!tpu.dma_semaphore, #tpu.memory_space<semaphore_mem>>) src(%dma_wait3A_252 : memref<128x128xf32, #tpu.memory_space<vmem_shared>>) dst(%dma_wait3A_248 : memref<128x128xf32, #tpu.memory_space<hbm>>)
        %add3A_253 = arith.addi %mul3A_13, %add3A_232 : i32
        %run_scoped3A_254 = arith.constant 1 : i32
        "tpu.region"() ({
          %run_scoped3A_275 = tpu.sem_alloc : memref<!tpu.dma_semaphore, #tpu.memory_space<semaphore_mem>>
          %dma_start3A_276 = arith.constant 0 : i32
          %dma_start3A_277 = arith.constant 0 : i32
          %dma_start3A_278 = tpu.memref_slice %arg8[%arg1, %run_scoped3A_254, %dma_start3A_276, %dma_start3A_277] : memref<16x2x128x128xf32, #tpu.memory_space<vmem_shared>> -> memref<1x1x128x128xf32, #tpu.memory_space<vmem_shared>>
          %dma_start3A_279 = tpu.memref_squeeze %dma_start3A_278 : memref<1x1x128x128xf32, #tpu.memory_space<vmem_shared>> -> memref<128x128xf32, #tpu.memory_space<vmem_shared>>
          %dma_start3A_280 = arith.constant 0 : i32
          %dma_start3A_281 = arith.constant 0 : i32
          %dma_start3A_282 = tpu.memref_slice %arg8[%arg1, %run_scoped3A_254, %dma_start3A_280, %dma_start3A_281] : memref<16x2x128x128xf32, #tpu.memory_space<vmem_shared>> -> memref<1x1x128x128xf32, #tpu.memory_space<vmem_shared>>
          %dma_start3A_283 = tpu.memref_squeeze %dma_start3A_282 : memref<1x1x128x128xf32, #tpu.memory_space<vmem_shared>> -> memref<128x128xf32, #tpu.memory_space<vmem_shared>>
          tpu.enqueue_dma source(%arg7 : memref<128x128xf32, #tpu.memory_space<vmem>>) target(%dma_start3A_283 : memref<128x128xf32, #tpu.memory_space<vmem_shared>>) target_semaphore(%run_scoped3A_275 : memref<!tpu.dma_semaphore, #tpu.memory_space<semaphore_mem>>)
          %dma_wait3A_284 = arith.constant 0 : i32
          %dma_wait3A_285 = arith.constant 0 : i32
          %dma_wait3A_286 = tpu.memref_slice %arg8[%arg1, %run_scoped3A_254, %dma_wait3A_284, %dma_wait3A_285] : memref<16x2x128x128xf32, #tpu.memory_space<vmem_shared>> -> memref<1x1x128x128xf32, #tpu.memory_space<vmem_shared>>
          %dma_wait3A_287 = tpu.memref_squeeze %dma_wait3A_286 : memref<1x1x128x128xf32, #tpu.memory_space<vmem_shared>> -> memref<128x128xf32, #tpu.memory_space<vmem_shared>>
          %dma_wait3A_288 = arith.constant 0 : i32
          %dma_wait3A_289 = arith.constant 0 : i32
          %dma_wait3A_290 = tpu.memref_slice %arg8[%arg1, %run_scoped3A_254, %dma_wait3A_288, %dma_wait3A_289] : memref<16x2x128x128xf32, #tpu.memory_space<vmem_shared>> -> memref<1x1x128x128xf32, #tpu.memory_space<vmem_shared>>
          %dma_wait3A_291 = tpu.memref_squeeze %dma_wait3A_290 : memref<1x1x128x128xf32, #tpu.memory_space<vmem_shared>> -> memref<128x128xf32, #tpu.memory_space<vmem_shared>>
          tpu.wait_dma2 semaphore(%run_scoped3A_275 : memref<!tpu.dma_semaphore, #tpu.memory_space<semaphore_mem>>) src(%arg7 : memref<128x128xf32, #tpu.memory_space<vmem>>) dst(%dma_wait3A_291 : memref<128x128xf32, #tpu.memory_space<vmem_shared>>)
          tpu.yield
        }) : () -> ()
        %add3A_255 = arith.addi %mul3A_2, %add3A_253 : i32
        %mul3A_256 = arith.constant 128 : i32
        %mul3A_257 = arith.muli %add3A_255, %mul3A_256 : i32
        %dma_start3A_258 = arith.constant 1 : i32
        %dma_start3A_259 = arith.constant 0 : i32
        %dma_start3A_260 = tpu.memref_slice %arg4[%mul3A_257, %dma_start3A_259] : memref<3276800x128xf32, #tpu.memory_space<hbm>> -> memref<128x128xf32, #tpu.memory_space<hbm>>
        %dma_start3A_261 = arith.constant 0 : i32
        %dma_start3A_262 = arith.constant 0 : i32
        %dma_start3A_263 = tpu.memref_slice %arg8[%arg1, %dma_start3A_258, %dma_start3A_261, %dma_start3A_262] : memref<16x2x128x128xf32, #tpu.memory_space<vmem_shared>> -> memref<1x1x128x128xf32, #tpu.memory_space<vmem_shared>>
        %dma_start3A_264 = tpu.memref_squeeze %dma_start3A_263 : memref<1x1x128x128xf32, #tpu.memory_space<vmem_shared>> -> memref<128x128xf32, #tpu.memory_space<vmem_shared>>
        tpu.enqueue_dma source(%dma_start3A_264 : memref<128x128xf32, #tpu.memory_space<vmem_shared>>) target(%dma_start3A_260 : memref<128x128xf32, #tpu.memory_space<hbm>>) target_semaphore(%arg12 : memref<!tpu.dma_semaphore, #tpu.memory_space<semaphore_mem>>)
        %add3A_265 = arith.constant 2 : i32
        %add3A_266 = arith.addi %add3A_186, %add3A_265 : i32
        %add3A_267 = arith.constant 1 : i32
        %add3A_268 = arith.addi %add3A_266, %add3A_267 : i32
        %dma_start3A_269 = arith.constant 0 : i32
        %dma_start3A_270 = tpu.memref_slice %arg5[%add3A_268, %dma_start3A_269] : memref<160x128xi32, #tpu.memory_space<vmem>> -> memref<1x128xi32, #tpu.memory_space<vmem>>
        %dma_start3A_271 = tpu.memref_squeeze %dma_start3A_270 : memref<1x128xi32, #tpu.memory_space<vmem>> -> memref<128xi32, #tpu.memory_space<vmem>>
        %dma_start3A_272 = arith.constant 0 : i32
        %dma_start3A_273 = arith.constant 0 : i32
        %dma_start3A_274 = tpu.memref_slice %arg2[%dma_start3A_272, %dma_start3A_273] : memref<32000x128xf32, #tpu.memory_space<hbm>> -> memref<32000x128xf32, #tpu.memory_space<hbm>>
        tpu.enqueue_indirect_dma source(%dma_start3A_274 : memref<32000x128xf32, #tpu.memory_space<hbm>>) target(%arg7 : memref<128x128xf32, #tpu.memory_space<vmem>>) offsets(%dma_start3A_271 : memref<128xi32, #tpu.memory_space<vmem>>) semaphore(%arg10 : memref<!tpu.dma_semaphore, #tpu.memory_space<semaphore_mem>>)
      }
      %scan3A_82 = arith.constant 78 : i32
      %dma_wait3A_83 = arith.constant 0 : i32
      %dma_wait3A_84 = arith.constant 0 : i32
      %dma_wait3A_85 = tpu.memref_slice %arg5[%dma_wait3A_83, %dma_wait3A_84] : memref<160x128xi32, #tpu.memory_space<vmem>> -> memref<1x128xi32, #tpu.memory_space<vmem>>
      %dma_wait3A_86 = tpu.memref_squeeze %dma_wait3A_85 : memref<1x128xi32, #tpu.memory_space<vmem>> -> memref<128xi32, #tpu.memory_space<vmem>>
      %dma_wait3A_87 = arith.constant 0 : i32
      %dma_wait3A_88 = arith.constant 0 : i32
      %dma_wait3A_89 = tpu.memref_slice %arg2[%dma_wait3A_87, %dma_wait3A_88] : memref<32000x128xf32, #tpu.memory_space<hbm>> -> memref<32000x128xf32, #tpu.memory_space<hbm>>
      tpu.wait_indirect_dma semaphore(%arg9 : memref<!tpu.dma_semaphore, #tpu.memory_space<semaphore_mem>>) src(%dma_wait3A_89 : memref<32000x128xf32, #tpu.memory_space<hbm>>) dst(%arg6 : memref<128x128xf32, #tpu.memory_space<vmem>>)
      %add3A_90 = arith.constant 158 : i32
      %add3A_91 = arith.addi %mul3A_13, %add3A_90 : i32
      %sub3A = arith.constant 2 : i32
      %sub3A_92 = arith.subi %add3A_91, %sub3A : i32
      %add3A_93 = arith.addi %mul3A_2, %sub3A_92 : i32
      %mul3A_94 = arith.constant 128 : i32
      %mul3A_95 = arith.muli %add3A_93, %mul3A_94 : i32
      %dma_wait3A_96 = arith.constant 0 : i32
      %dma_wait3A_97 = arith.constant 0 : i32
      %dma_wait3A_98 = tpu.memref_slice %arg4[%mul3A_95, %dma_wait3A_97] : memref<3276800x128xf32, #tpu.memory_space<hbm>> -> memref<128x128xf32, #tpu.memory_space<hbm>>
      %dma_wait3A_99 = arith.constant 0 : i32
      %dma_wait3A_100 = arith.constant 0 : i32
      %dma_wait3A_101 = tpu.memref_slice %arg8[%arg1, %dma_wait3A_96, %dma_wait3A_99, %dma_wait3A_100] : memref<16x2x128x128xf32, #tpu.memory_space<vmem_shared>> -> memref<1x1x128x128xf32, #tpu.memory_space<vmem_shared>>
      %dma_wait3A_102 = tpu.memref_squeeze %dma_wait3A_101 : memref<1x1x128x128xf32, #tpu.memory_space<vmem_shared>> -> memref<128x128xf32, #tpu.memory_space<vmem_shared>>
      tpu.wait_dma2 semaphore(%arg11 : memref<!tpu.dma_semaphore, #tpu.memory_space<semaphore_mem>>) src(%dma_wait3A_102 : memref<128x128xf32, #tpu.memory_space<vmem_shared>>) dst(%dma_wait3A_98 : memref<128x128xf32, #tpu.memory_space<hbm>>)
      %add3A_103 = arith.constant 158 : i32
      %add3A_104 = arith.addi %mul3A_13, %add3A_103 : i32
      %run_scoped3A_105 = arith.constant 0 : i32
      "tpu.region"() ({
        %run_scoped3A_182 = tpu.sem_alloc : memref<!tpu.dma_semaphore, #tpu.memory_space<semaphore_mem>>
        %dma_start3A_183 = arith.constant 0 : i32
        %dma_start3A_184 = arith.constant 0 : i32
        %dma_start3A_185 = tpu.memref_slice %arg8[%arg1, %run_scoped3A_105, %dma_start3A_183, %dma_start3A_184] : memref<16x2x128x128xf32, #tpu.memory_space<vmem_shared>> -> memref<1x1x128x128xf32, #tpu.memory_space<vmem_shared>>
        %dma_start3A_186 = tpu.memref_squeeze %dma_start3A_185 : memref<1x1x128x128xf32, #tpu.memory_space<vmem_shared>> -> memref<128x128xf32, #tpu.memory_space<vmem_shared>>
        %dma_start3A_187 = arith.constant 0 : i32
        %dma_start3A_188 = arith.constant 0 : i32
        %dma_start3A_189 = tpu.memref_slice %arg8[%arg1, %run_scoped3A_105, %dma_start3A_187, %dma_start3A_188] : memref<16x2x128x128xf32, #tpu.memory_space<vmem_shared>> -> memref<1x1x128x128xf32, #tpu.memory_space<vmem_shared>>
        %dma_start3A_190 = tpu.memref_squeeze %dma_start3A_189 : memref<1x1x128x128xf32, #tpu.memory_space<vmem_shared>> -> memref<128x128xf32, #tpu.memory_space<vmem_shared>>
        tpu.enqueue_dma source(%arg6 : memref<128x128xf32, #tpu.memory_space<vmem>>) target(%dma_start3A_190 : memref<128x128xf32, #tpu.memory_space<vmem_shared>>) target_semaphore(%run_scoped3A_182 : memref<!tpu.dma_semaphore, #tpu.memory_space<semaphore_mem>>)
        %dma_wait3A_191 = arith.constant 0 : i32
        %dma_wait3A_192 = arith.constant 0 : i32
        %dma_wait3A_193 = tpu.memref_slice %arg8[%arg1, %run_scoped3A_105, %dma_wait3A_191, %dma_wait3A_192] : memref<16x2x128x128xf32, #tpu.memory_space<vmem_shared>> -> memref<1x1x128x128xf32, #tpu.memory_space<vmem_shared>>
        %dma_wait3A_194 = tpu.memref_squeeze %dma_wait3A_193 : memref<1x1x128x128xf32, #tpu.memory_space<vmem_shared>> -> memref<128x128xf32, #tpu.memory_space<vmem_shared>>
        %dma_wait3A_195 = arith.constant 0 : i32
        %dma_wait3A_196 = arith.constant 0 : i32
        %dma_wait3A_197 = tpu.memref_slice %arg8[%arg1, %run_scoped3A_105, %dma_wait3A_195, %dma_wait3A_196] : memref<16x2x128x128xf32, #tpu.memory_space<vmem_shared>> -> memref<1x1x128x128xf32, #tpu.memory_space<vmem_shared>>
        %dma_wait3A_198 = tpu.memref_squeeze %dma_wait3A_197 : memref<1x1x128x128xf32, #tpu.memory_space<vmem_shared>> -> memref<128x128xf32, #tpu.memory_space<vmem_shared>>
        tpu.wait_dma2 semaphore(%run_scoped3A_182 : memref<!tpu.dma_semaphore, #tpu.memory_space<semaphore_mem>>) src(%arg6 : memref<128x128xf32, #tpu.memory_space<vmem>>) dst(%dma_wait3A_198 : memref<128x128xf32, #tpu.memory_space<vmem_shared>>)
        tpu.yield
      }) : () -> ()
      %add3A_106 = arith.addi %mul3A_2, %add3A_104 : i32
      %mul3A_107 = arith.constant 128 : i32
      %mul3A_108 = arith.muli %add3A_106, %mul3A_107 : i32
      %dma_start3A_109 = arith.constant 0 : i32
      %dma_start3A_110 = arith.constant 0 : i32
      %dma_start3A_111 = tpu.memref_slice %arg4[%mul3A_108, %dma_start3A_110] : memref<3276800x128xf32, #tpu.memory_space<hbm>> -> memref<128x128xf32, #tpu.memory_space<hbm>>
      %dma_start3A_112 = arith.constant 0 : i32
      %dma_start3A_113 = arith.constant 0 : i32
      %dma_start3A_114 = tpu.memref_slice %arg8[%arg1, %dma_start3A_109, %dma_start3A_112, %dma_start3A_113] : memref<16x2x128x128xf32, #tpu.memory_space<vmem_shared>> -> memref<1x1x128x128xf32, #tpu.memory_space<vmem_shared>>
      %dma_start3A_115 = tpu.memref_squeeze %dma_start3A_114 : memref<1x1x128x128xf32, #tpu.memory_space<vmem_shared>> -> memref<128x128xf32, #tpu.memory_space<vmem_shared>>
      tpu.enqueue_dma source(%dma_start3A_115 : memref<128x128xf32, #tpu.memory_space<vmem_shared>>) target(%dma_start3A_111 : memref<128x128xf32, #tpu.memory_space<hbm>>) target_semaphore(%arg11 : memref<!tpu.dma_semaphore, #tpu.memory_space<semaphore_mem>>)
      %dma_wait3A_116 = arith.constant 0 : i32
      %dma_wait3A_117 = arith.constant 0 : i32
      %dma_wait3A_118 = tpu.memref_slice %arg5[%dma_wait3A_116, %dma_wait3A_117] : memref<160x128xi32, #tpu.memory_space<vmem>> -> memref<1x128xi32, #tpu.memory_space<vmem>>
      %dma_wait3A_119 = tpu.memref_squeeze %dma_wait3A_118 : memref<1x128xi32, #tpu.memory_space<vmem>> -> memref<128xi32, #tpu.memory_space<vmem>>
      %dma_wait3A_120 = arith.constant 0 : i32
      %dma_wait3A_121 = arith.constant 0 : i32
      %dma_wait3A_122 = tpu.memref_slice %arg2[%dma_wait3A_120, %dma_wait3A_121] : memref<32000x128xf32, #tpu.memory_space<hbm>> -> memref<32000x128xf32, #tpu.memory_space<hbm>>
      tpu.wait_indirect_dma semaphore(%arg10 : memref<!tpu.dma_semaphore, #tpu.memory_space<semaphore_mem>>) src(%dma_wait3A_122 : memref<32000x128xf32, #tpu.memory_space<hbm>>) dst(%arg7 : memref<128x128xf32, #tpu.memory_space<vmem>>)
      %add3A_123 = arith.constant 159 : i32
      %add3A_124 = arith.addi %mul3A_13, %add3A_123 : i32
      %sub3A_125 = arith.constant 2 : i32
      %sub3A_126 = arith.subi %add3A_124, %sub3A_125 : i32
      %add3A_127 = arith.addi %mul3A_2, %sub3A_126 : i32
      %mul3A_128 = arith.constant 128 : i32
      %mul3A_129 = arith.muli %add3A_127, %mul3A_128 : i32
      %dma_wait3A_130 = arith.constant 1 : i32
      %dma_wait3A_131 = arith.constant 0 : i32
      %dma_wait3A_132 = tpu.memref_slice %arg4[%mul3A_129, %dma_wait3A_131] : memref<3276800x128xf32, #tpu.memory_space<hbm>> -> memref<128x128xf32, #tpu.memory_space<hbm>>
      %dma_wait3A_133 = arith.constant 0 : i32
      %dma_wait3A_134 = arith.constant 0 : i32
      %dma_wait3A_135 = tpu.memref_slice %arg8[%arg1, %dma_wait3A_130, %dma_wait3A_133, %dma_wait3A_134] : memref<16x2x128x128xf32, #tpu.memory_space<vmem_shared>> -> memref<1x1x128x128xf32, #tpu.memory_space<vmem_shared>>
      %dma_wait3A_136 = tpu.memref_squeeze %dma_wait3A_135 : memref<1x1x128x128xf32, #tpu.memory_space<vmem_shared>> -> memref<128x128xf32, #tpu.memory_space<vmem_shared>>
      tpu.wait_dma2 semaphore(%arg12 : memref<!tpu.dma_semaphore, #tpu.memory_space<semaphore_mem>>) src(%dma_wait3A_136 : memref<128x128xf32, #tpu.memory_space<vmem_shared>>) dst(%dma_wait3A_132 : memref<128x128xf32, #tpu.memory_space<hbm>>)
      %add3A_137 = arith.constant 159 : i32
      %add3A_138 = arith.addi %mul3A_13, %add3A_137 : i32
      %run_scoped3A_139 = arith.constant 1 : i32
      "tpu.region"() ({
        %run_scoped3A_182 = tpu.sem_alloc : memref<!tpu.dma_semaphore, #tpu.memory_space<semaphore_mem>>
        %dma_start3A_183 = arith.constant 0 : i32
        %dma_start3A_184 = arith.constant 0 : i32
        %dma_start3A_185 = tpu.memref_slice %arg8[%arg1, %run_scoped3A_139, %dma_start3A_183, %dma_start3A_184] : memref<16x2x128x128xf32, #tpu.memory_space<vmem_shared>> -> memref<1x1x128x128xf32, #tpu.memory_space<vmem_shared>>
        %dma_start3A_186 = tpu.memref_squeeze %dma_start3A_185 : memref<1x1x128x128xf32, #tpu.memory_space<vmem_shared>> -> memref<128x128xf32, #tpu.memory_space<vmem_shared>>
        %dma_start3A_187 = arith.constant 0 : i32
        %dma_start3A_188 = arith.constant 0 : i32
        %dma_start3A_189 = tpu.memref_slice %arg8[%arg1, %run_scoped3A_139, %dma_start3A_187, %dma_start3A_188] : memref<16x2x128x128xf32, #tpu.memory_space<vmem_shared>> -> memref<1x1x128x128xf32, #tpu.memory_space<vmem_shared>>
        %dma_start3A_190 = tpu.memref_squeeze %dma_start3A_189 : memref<1x1x128x128xf32, #tpu.memory_space<vmem_shared>> -> memref<128x128xf32, #tpu.memory_space<vmem_shared>>
        tpu.enqueue_dma source(%arg7 : memref<128x128xf32, #tpu.memory_space<vmem>>) target(%dma_start3A_190 : memref<128x128xf32, #tpu.memory_space<vmem_shared>>) target_semaphore(%run_scoped3A_182 : memref<!tpu.dma_semaphore, #tpu.memory_space<semaphore_mem>>)
        %dma_wait3A_191 = arith.constant 0 : i32
        %dma_wait3A_192 = arith.constant 0 : i32
        %dma_wait3A_193 = tpu.memref_slice %arg8[%arg1, %run_scoped3A_139, %dma_wait3A_191, %dma_wait3A_192] : memref<16x2x128x128xf32, #tpu.memory_space<vmem_shared>> -> memref<1x1x128x128xf32, #tpu.memory_space<vmem_shared>>
        %dma_wait3A_194 = tpu.memref_squeeze %dma_wait3A_193 : memref<1x1x128x128xf32, #tpu.memory_space<vmem_shared>> -> memref<128x128xf32, #tpu.memory_space<vmem_shared>>
        %dma_wait3A_195 = arith.constant 0 : i32
        %dma_wait3A_196 = arith.constant 0 : i32
        %dma_wait3A_197 = tpu.memref_slice %arg8[%arg1, %run_scoped3A_139, %dma_wait3A_195, %dma_wait3A_196] : memref<16x2x128x128xf32, #tpu.memory_space<vmem_shared>> -> memref<1x1x128x128xf32, #tpu.memory_space<vmem_shared>>
        %dma_wait3A_198 = tpu.memref_squeeze %dma_wait3A_197 : memref<1x1x128x128xf32, #tpu.memory_space<vmem_shared>> -> memref<128x128xf32, #tpu.memory_space<vmem_shared>>
        tpu.wait_dma2 semaphore(%run_scoped3A_182 : memref<!tpu.dma_semaphore, #tpu.memory_space<semaphore_mem>>) src(%arg7 : memref<128x128xf32, #tpu.memory_space<vmem>>) dst(%dma_wait3A_198 : memref<128x128xf32, #tpu.memory_space<vmem_shared>>)
        tpu.yield
      }) : () -> ()
      %add3A_140 = arith.addi %mul3A_2, %add3A_138 : i32
      %mul3A_141 = arith.constant 128 : i32
      %mul3A_142 = arith.muli %add3A_140, %mul3A_141 : i32
      %dma_start3A_143 = arith.constant 1 : i32
      %dma_start3A_144 = arith.constant 0 : i32
      %dma_start3A_145 = tpu.memref_slice %arg4[%mul3A_142, %dma_start3A_144] : memref<3276800x128xf32, #tpu.memory_space<hbm>> -> memref<128x128xf32, #tpu.memory_space<hbm>>
      %dma_start3A_146 = arith.constant 0 : i32
      %dma_start3A_147 = arith.constant 0 : i32
      %dma_start3A_148 = tpu.memref_slice %arg8[%arg1, %dma_start3A_143, %dma_start3A_146, %dma_start3A_147] : memref<16x2x128x128xf32, #tpu.memory_space<vmem_shared>> -> memref<1x1x128x128xf32, #tpu.memory_space<vmem_shared>>
      %dma_start3A_149 = tpu.memref_squeeze %dma_start3A_148 : memref<1x1x128x128xf32, #tpu.memory_space<vmem_shared>> -> memref<128x128xf32, #tpu.memory_space<vmem_shared>>
      tpu.enqueue_dma source(%dma_start3A_149 : memref<128x128xf32, #tpu.memory_space<vmem_shared>>) target(%dma_start3A_145 : memref<128x128xf32, #tpu.memory_space<hbm>>) target_semaphore(%arg12 : memref<!tpu.dma_semaphore, #tpu.memory_space<semaphore_mem>>)
      %add3A_150 = arith.constant 160 : i32
      %add3A_151 = arith.addi %mul3A_13, %add3A_150 : i32
      %sub3A_152 = arith.constant 2 : i32
      %sub3A_153 = arith.subi %add3A_151, %sub3A_152 : i32
      %add3A_154 = arith.constant 0 : i32
      %add3A_155 = arith.addi %sub3A_153, %add3A_154 : i32
      %add3A_156 = arith.addi %mul3A_2, %add3A_155 : i32
      %mul3A_157 = arith.constant 128 : i32
      %mul3A_158 = arith.muli %add3A_156, %mul3A_157 : i32
      %dma_wait3A_159 = arith.constant 0 : i32
      %dma_wait3A_160 = arith.constant 0 : i32
      %dma_wait3A_161 = tpu.memref_slice %arg4[%mul3A_158, %dma_wait3A_160] : memref<3276800x128xf32, #tpu.memory_space<hbm>> -> memref<128x128xf32, #tpu.memory_space<hbm>>
      %dma_wait3A_162 = arith.constant 0 : i32
      %dma_wait3A_163 = arith.constant 0 : i32
      %dma_wait3A_164 = tpu.memref_slice %arg8[%arg1, %dma_wait3A_159, %dma_wait3A_162, %dma_wait3A_163] : memref<16x2x128x128xf32, #tpu.memory_space<vmem_shared>> -> memref<1x1x128x128xf32, #tpu.memory_space<vmem_shared>>
      %dma_wait3A_165 = tpu.memref_squeeze %dma_wait3A_164 : memref<1x1x128x128xf32, #tpu.memory_space<vmem_shared>> -> memref<128x128xf32, #tpu.memory_space<vmem_shared>>
      tpu.wait_dma2 semaphore(%arg11 : memref<!tpu.dma_semaphore, #tpu.memory_space<semaphore_mem>>) src(%dma_wait3A_165 : memref<128x128xf32, #tpu.memory_space<vmem_shared>>) dst(%dma_wait3A_161 : memref<128x128xf32, #tpu.memory_space<hbm>>)
      %add3A_166 = arith.constant 160 : i32
      %add3A_167 = arith.addi %mul3A_13, %add3A_166 : i32
      %sub3A_168 = arith.constant 2 : i32
      %sub3A_169 = arith.subi %add3A_167, %sub3A_168 : i32
      %add3A_170 = arith.constant 1 : i32
      %add3A_171 = arith.addi %sub3A_169, %add3A_170 : i32
      %add3A_172 = arith.addi %mul3A_2, %add3A_171 : i32
      %mul3A_173 = arith.constant 128 : i32
      %mul3A_174 = arith.muli %add3A_172, %mul3A_173 : i32
      %dma_wait3A_175 = arith.constant 1 : i32
      %dma_wait3A_176 = arith.constant 0 : i32
      %dma_wait3A_177 = tpu.memref_slice %arg4[%mul3A_174, %dma_wait3A_176] : memref<3276800x128xf32, #tpu.memory_space<hbm>> -> memref<128x128xf32, #tpu.memory_space<hbm>>
      %dma_wait3A_178 = arith.constant 0 : i32
      %dma_wait3A_179 = arith.constant 0 : i32
      %dma_wait3A_180 = tpu.memref_slice %arg8[%arg1, %dma_wait3A_175, %dma_wait3A_178, %dma_wait3A_179] : memref<16x2x128x128xf32, #tpu.memory_space<vmem_shared>> -> memref<1x1x128x128xf32, #tpu.memory_space<vmem_shared>>
      %dma_wait3A_181 = tpu.memref_squeeze %dma_wait3A_180 : memref<1x1x128x128xf32, #tpu.memory_space<vmem_shared>> -> memref<128x128xf32, #tpu.memory_space<vmem_shared>>
      tpu.wait_dma2 semaphore(%arg12 : memref<!tpu.dma_semaphore, #tpu.memory_space<semaphore_mem>>) src(%dma_wait3A_181 : memref<128x128xf32, #tpu.memory_space<vmem_shared>>) dst(%dma_wait3A_177 : memref<128x128xf32, #tpu.memory_space<hbm>>)
    }
    %scan3A_6 = arith.constant 5 : i32
    return
  }
}

</mosaic_0001>

<sc_bundles>
// kernel: kernel.3.cloned.1.call-start
scs
__scs_entry_jumppad:
0x0: {  	(pc) =	sbr.rel $0x88, $3  }
0x1: {  	(tag) =	ssettag $0x0;
	lr =	simm.s32 $0x1  }
0x2: {  	[smem:$0x3F9F] =	sst lr;
	_ =	strace $0xD0000000  }
0x3: {  	_ = 	snop  }
0x4: {  	_ = 	snop  }
0x5: {  	_ = 	snop  }
0x6: {  	_ = 	snop  }
0x7: {  	_ = 	snop  }
__scs_overlays_trampoline_lowered:
0x8: {  	[smem:$0x3FAE] =	sst s0  }
0x9: {  	[smem:$0x3FAF] =	sst s1  }
0xa: {  	[smem:$0x3FB0] =	sst s2  }
0xb: {  	[smem:$0x3FB1] =	sst s3  }
0xc: {  	[smem:$0x3FB2] =	sst s4  }
0xd: {  	[smem:$0x3FB3] =	sst s5  }
0xe: {  	[smem:$0x3FB4] =	sst s6  }
0xf: {  	[smem:$0x3FB5] =	sst s7  }
0x10: {  	[smem:$0x3FB6] =	sst s8  }
0x11: {  	[smem:$0x3FB7] =	sst s9;
	s0 =	simm.s32 @!p0 $0x0  }
0x12: {  	s1 =	sld [smem:$0x3F9D];
	s0 =	simm.s32 @p0 $0x1  }
0x13: {  	[smem:$0x3FB8] =	sst s0;
	s0 =	simm.s32 @!p1 $0x0  }
0x14: {  	s2 =	sld [smem:$0x3F9C];
	s0 =	simm.s32 @p1 $0x1  }
0x15: {  	[smem:$0x3FB9] =	sst s0;
	s0 =	simm.s32 @!p2 $0x0  }
0x16: {  	s3 =	sld [smem:$0x3FDB];
	s0 =	simm.s32 @p2 $0x1  }
0x17: {  	s4 =	simm.s32 $0x1BF5;
	[smem:$0x3FBB] =	sst s0  }
0x18: {  	s0 =	sld [smem:$0x3F9E];
	_ =	swait.ge [sflag:s4], $0x0  }
0x19: {  	s7 =	sld [smem:$0x3F9F]  }
0x1a: {  	s8 =	sadd.s32 $0xFFFFE003, lr  }
0x1b: {  	s9 =	sadd.s32 $0xFFFFFEF7, lr;
	s5 =	simm.s32 $0xFFFFFFFF;
	p2 =	slt.u32 s8, $0xFFFFF086  }
0x1c: {  	p1 =	slt.u32 s9, $0xF7A;
	s5 =	simm.s32 @!p2 $0x0  }
0x1d: {  	s5 =	simm.s32 @p1 $0x1;
	p0 =	seq.s32 s7, s2  }
0x1e: {  	s7 =	smul.u32 @!p0 $0xF7A, s2;
	p2 =	seq.s32 @!p0 s5, $0x0  }
0x1f: {  	s9 =	smul.u32 $0xF7A, s1;
	s8 =	simm.s32 @!p0 $0x1BF5;
	p2 =	por !p2, p0  }
0x20: {  	[sflag:s8] =	ssyncset.s32 @!p0 $0xFFFFF086;
	s6 =	sadd.s32 @!p0 s3, s7;
	s7 =	simm.s32 @!p0 $0x108  }
0x21: {  	s3 =	sadd.s32 s3, s9;
	s6 =	sadd.s32 @!p0 $0x88, s6;
	s7 =	simm.s32 @p2 $0x1082  }
0x22: {  	[simem:s7], [sflag:s8] =	dma.local @!p0 [hbm:s6], $0xF7A  }
0x23: {  	s9 =	sor.u32 $0xD0000000, s2;
	s6 =	simm.s32 $0x108;
	_ =	swait.ge @!p0 [sflag:s8], $0x0  }
0x24: {  	s3 =	sadd.s32 $0x88, s3;
	s6 =	simm.s32 @!p1 $0x1082;
	[sflag:s4] =	ssyncset.s32 $0xFFFFF086  }
0x25: {  	[simem:s6], [sflag:s4] =	dma.local [hbm:s3], $0xF7A  }
0x26: {  	[smem:$0x3F9F] =	sst s1;
	(tag) =	ssettag s2;
	_ =	strace s9  }
0x27: {  	s1 =	sld [smem:$0x3FAF]  }
0x28: {  	s2 =	sld [smem:$0x3FB0]  }
0x29: {  	s4 =	sld [smem:$0x3FB2]  }
0x2a: {  	p0 =	seq.s32 s5, $0x0;
	s5 =	sld [smem:$0x3FB3]  }
0x2b: {  	s6 =	sld [smem:$0x3FB4]  }
0x2c: {  	s7 =	sld [smem:$0x3FB5]  }
0x2d: {  	s3 =	simm.s32 $0x108;
	s8 =	sld [smem:$0x3FB6]  }
0x2e: {  	s3 =	simm.s32 @!p0 $0x1082;
	s9 =	sld [smem:$0x3FB7]  }
0x2f: {  	lr =	sadd.s32 s0, s3;
	s0 =	sld [smem:$0x3FAE]  }
0x30: {  	s3 =	sld [smem:$0x3FB1]  }
0x31: {  	[smem:$0x3FBA] =	sst s10  }
0x32: {  	s10 =	sld [smem:$0x3FB8];
	_ =	sdelay $0x3  }
0x33: {  	p0 =	seq.s32 s10, $0x1;
	s10 =	sld [smem:$0x3FBA];
	_ =	sdelay $0x3  }
0x34: {  	[smem:$0x3FBA] =	sst s10  }
0x35: {  	s10 =	sld [smem:$0x3FB9];
	_ =	sdelay $0x3  }
0x36: {  	p1 =	seq.s32 s10, $0x1;
	s10 =	sld [smem:$0x3FBA];
	_ =	sdelay $0x3  }
0x37: {  	[smem:$0x3FBA] =	sst s10  }
0x38: {  	s10 =	sld [smem:$0x3FBB]  }
0x39: {  	_ = 	snop;
	(pc) =	sbr.ind lr, $3  }
0x3a: {  	_ = 	snop  }
0x3b: {  	_ = 	snop  }
0x3c: {  	p2 =	seq.s32 s10, $0x1;
	s10 =	sld [smem:$0x3FBA]  }
0x3d: {  	_ =	shalt  }
0x3e: {  	_ =	shalt  }
0x3f: {  	_ =	shalt  }
0x40: {  	_ =	shalt  }
0x41: {  	_ =	shalt  }
0x42: {  	_ =	shalt  }
0x43: {  	_ =	shalt  }
0x44: {  	_ =	shalt  }
0x45: {  	_ =	shalt  }
0x46: {  	_ =	shalt  }
0x47: {  	_ =	shalt  }
0x48: {  	_ =	shalt  }
0x49: {  	_ =	shalt  }
0x4a: {  	_ =	shalt  }
0x4b: {  	_ =	shalt  }
0x4c: {  	_ =	shalt  }
0x4d: {  	_ =	shalt  }
0x4e: {  	_ =	shalt  }
0x4f: {  	_ =	shalt  }
0x50: {  	_ =	shalt  }
0x51: {  	_ =	shalt  }
0x52: {  	_ =	shalt  }
0x53: {  	_ =	shalt  }
0x54: {  	_ =	shalt  }
0x55: {  	_ =	shalt  }
0x56: {  	_ =	shalt  }
0x57: {  	_ =	shalt  }
0x58: {  	_ =	shalt  }
0x59: {  	_ =	shalt  }
0x5a: {  	_ =	shalt  }
0x5b: {  	_ =	shalt  }
0x5c: {  	_ =	shalt  }
0x5d: {  	_ =	shalt  }
0x5e: {  	_ =	shalt  }
0x5f: {  	_ =	shalt  }
0x60: {  	_ =	shalt  }
0x61: {  	_ =	shalt  }
0x62: {  	_ =	shalt  }
0x63: {  	_ =	shalt  }
0x64: {  	_ =	shalt  }
0x65: {  	_ =	shalt  }
0x66: {  	_ =	shalt  }
0x67: {  	_ =	shalt  }
0x68: {  	_ =	shalt  }
0x69: {  	_ =	shalt  }
0x6a: {  	_ =	shalt  }
0x6b: {  	_ =	shalt  }
0x6c: {  	_ =	shalt  }
0x6d: {  	_ =	shalt  }
0x6e: {  	_ =	shalt  }
0x6f: {  	_ =	shalt  }
0x70: {  	_ =	shalt  }
0x71: {  	_ =	shalt  }
0x72: {  	_ =	shalt  }
0x73: {  	_ =	shalt  }
0x74: {  	_ =	shalt  }
0x75: {  	_ =	shalt  }
0x76: {  	_ =	shalt  }
0x77: {  	_ =	shalt  }
0x78: {  	_ =	shalt  }
0x79: {  	_ =	shalt  }
0x7a: {  	_ =	shalt  }
0x7b: {  	_ =	shalt  }
0x7c: {  	_ =	shalt  }
0x7d: {  	_ =	shalt  }
0x7e: {  	_ =	shalt  }
0x7f: {  	_ =	shalt  }
0x80: {  	_ =	shalt  }
0x81: {  	_ =	shalt  }
0x82: {  	_ =	shalt  }
0x83: {  	_ =	shalt  }
0x84: {  	_ =	shalt  }
0x85: {  	_ =	shalt  }
0x86: {  	_ =	shalt  }
0x87: {  	_ =	shalt  }
.Lfunc_end0:
.L_simem_size_0:
called_computation_lowered:
.L_overlay_start_0:
0x88: {  	s2 =	sld [smem:$0x3FD9]  }
0x89: {  	s3 =	sld [smem:$0x3FFE];
	_ =	sdelay $0x1  }
0x8a: {  	s1 =	srdreg.scid  }
0x8b: {  	s0 =	sand.u32 $0x1, s1  }
0x8c: {  	s17 =	sshll.u32 s0, $0xA;
	s2 =	sadd.s32 s3, s2  }
0x8d: {  	s2 =	sadd.s32 s2, s17  }
0x8e: {  	[smem:$0x3FC6] =	sst s2  }
0x8f: {  	_ = 	snop  }
0x90: {  	s2 =	sld [smem:$0x3FD0];
	(tm) =	ssettm $0x1  }
0x91: {  	s18 =	sld [smem:$0x3FFB];
	_ =	sdelay $0x3  }
0x92: {  	_ =	strace s18  }
0x93: {  	s3 =	sld [smem:$0x3FFC];
	_ =	sdelay $0x3  }
0x94: {  	_ =	strace s3  }
0x95: {  	s3 =	sld [smem:$0x3FFD];
	_ =	sdelay $0x3  }
0x96: {  	_ =	strace s3  }
0x97: {  	_ =	strace $0x8FFFFFFF  }
0x98: {  	s19 =	sld [smem:$0x3FDB];
	_ =	sdelay $0x1  }
0x99: {  	s4 =	simm.s32 $_scs_section_size  }
0x9a: {  	s5 =	simm.s32 $_size__tile_overlayer_lowered;
	s6 =	simm.s32 $_tile_overlayer_lowered  }
0x9b: {  	s22 =	simm.s32 $0x1BFF;
	s21 =	sshll.u32 s6, $0x1;
	s3 =	sadd.s32 s4, s19  }
0x9c: {  	s7 =	simm.s32 $0x0;
	s20 =	sshll.u32 s5, $0x1;
	s5 =	sadd.s32 s21, s3  }
0x9d: {  	[timem:s7], [sflag:s22] =	dma.local [hbm:s5], s20  }
0x9e: {  	_ =	swait.ge [sflag:s22], s20  }
0x9f: {  	s4 =	ssub.s32 $0x0, s20;
	[sflag:s22] =	ssyncset.done $0x0  }
0xa0: {  	[sflag:s22] =	ssyncadd.s32 s4;
	_ =	sdelay $0x1  }
0xa1: {  	s23 =	simm.s32 $0x1B8B  }
0xa2: {  	_ =	swait.ge [sflag:s23], $0x1  }
0xa3: {  	[sflag:s23] =	ssyncset.done $0x0  }
0xa4: {  	s25 =	simm.s32 $0x1B8E;
	s24 =	sld [smem:$0x3FFE];
	[sflag:s23] =	ssyncadd.s32 $0xFFFFFFFF  }
0xa5: {  	s26 =	simm.s32 $execute0_lowered;
	[smem:$0x3FD2] =	sst s25  }
0xa6: {  	s5 =	sshll.u32 s26, $0x1;
	_ =	strace $0x80000046;
	[dreg:$0x1] =	wrdreg $0xFFFFFFFF  }
0xa7: {  	s28 =	simm.s32 $_size_execute0_lowered;
	s3 =	sadd.s32 s3, s5;
	[dreg:$0x0] =	wrdreg $0x0  }
0xa8: {  	s5 =	sshll.u32 s28, $0x1;
	[dreg:$0x2] =	wrdreg s3  }
0xa9: {  	[dreg:$0x3] =	wrdreg s5  }
0xaa: {  	[dreg:$0x4] =	wrdreg $0xC0  }
0xab: {  	_ =	task [dreg:s7], $0x5FFFF  }
0xac: {  	[dreg:$0x1] =	wrdreg $0xFFFFFFFF  }
0xad: {  	[dreg:$0x0] =	wrdreg $0x60  }
0xae: {  	[dreg:$0x2] =	wrdreg s24  }
0xaf: {  	[dreg:$0x3] =	wrdreg s2  }
0xb0: {  	[dreg:$0x4] =	wrdreg $0xD0000  }
0xb1: {  	[dreg:$0x5] =	wrdreg $0x9  }
0xb2: {  	_ =	task.clear_ibuf [dreg:s7], $0x6FFFF;
	_ =	strace $0x90000046  }
0xb3: {  	s29 =	simm.s32 $0x9;
	_ =	strace $0x80000048  }
0xb4: {  	_ =	swait.ge [sflag:s29], $0x1  }
0xb5: {  	[sflag:s29] =	ssyncadd.s32 $0xFFFFFFFF  }
0xb6: {  	_ =	strace $0x90000048  }
0xb7: {  	_ =	sfence  }
0xb8: {  	s30 =	sld [smem:$0x0];
	_ =	sdelay $0x2  }
0xb9: {  	s31 =	sshll.u32 s1, $0xD;
	s1 =	sshrl.u32 s1, $0x2  }
0xba: {  	s3 =	sand.u32 $0x4000, s31;
	s1 =	sadd.s32 s1, s30  }
0xbb: {  	s0 =	sor.u32 s3, s0;
	s1 =	sshll.u32 s1, $0x11  }
0xbc: {  	s0 =	sor.u32 s1, s0  }
0xbd: {  	s0 =	sadd.s32 $0x8F2B, s0  }
0xbe: {  	[sflag:s0] =	ssyncadd.remote.s32 $0x1  }
0xbf: {  	_ =	sfence.sel $0xFFFF  }
0xc0: {  	[dreg:$0x0] =	wrdreg $0xFFFFFFFF;
	(pc) =	sbr.abs _section_cstart, $3  }
0xc1: {  	[dreg:$0x1] =	wrdreg $0xFFFFFFFF  }
0xc2: {  	_ =	task.clear_ibuf [dreg:s7], $0x2FFFF;
	_ =	strace $0x9FFFFFFF  }
0xc3: {  	(tm) =	ssettm $0x7FFFFFFF  }
tec
execute0_lowered:
.L_overlay_start_1:
0x0: {  	(tag) =	ssettag $0x1  }
0x1: {  	s0 =	rddreg [dreg:$0x0]  }
0x2: {  	s1 =	rddreg [dreg:$0x1]  }
0x3: {  	s2 =	rddreg [dreg:$0x2];
	s5 =	simm.s32 $0x0  }
0x4: {  	s3 =	srdreg.scid;
	s12 =	stileid.u32;
	s15 =	simm.s32 $0x5  }
0x5: {  	s16 =	simm.s32 $0x80;
	s17 =	simm.s32 $0x5000;
	s19 =	simm.s32 $0x9000  }
0x6: {  	s20 =	simm.s32 $0x1;
	s24 =	simm.s32 $0x2;
	s26 =	simm.s32 $0x3  }
0x7: {  	s28 =	simm.s32 $0x4;
	[smem:$0x7FF] =	sst s5;
	s4 =	sadd.s32 $0x64600, s0  }
0x8: {  	s0 =	sadd.s32 $0x600, s0;
	s29 =	sand.u32 $0x1, s3;
	s6 =	sshll.u32 s12, $0x1  }
0x9: {  	s9 =	smul.u32 $0x640, s12;
	s7 =	sshll.u32 s12, $0xF;
	s18 =	sshll.u32 s12, $0x6  }
0xa: {  	_ =	strace $0x80000047;
	[dreg:$0x5] =	wrdreg s0;
	s0 =	smul.u32 $0x320, s29  }
0xb: {  	s3 =	ssub.s32 $0x2, s29;
	s6 =	sor.u32 s29, s6;
	s7 =	sadd.s32 s7, s2  }
0xc: {  	s21 =	sor.u32 $0x1C03, s18;
	s8 =	sshrl.u32 s3, $0x1;
	s0 =	sadd.s32 s0, s9  }
0xd: {  	s6 =	smul.u32 $0x320, s6;
	s30 =	ssub.s32 s3, s8;
	s0 =	sshll.u32 s0, $0xB  }
0xe: {  	s22 =	sshrl.u32 s7, $0x3;
	s2 =	smax.u32 s30, $0x1;
	s0 =	sadd.s32 s0, s1  }
0xf: {  	s8 =	sadd.s32 $0x4000, s7;
	[dreg:$0x6] =	wrdreg s2;
	s31 =	sadd.s32 $0x1800, s0  }
0x10: {  	s9 =	sor.u32 $0x1, s6;
	s0 =	sadd.s32 $0x1000, s0;
	[dreg:$0x7] =	wrdreg s31  }
0x11: {  	s10 =	sadd.s32 $0x9E, s6;
	s11 =	sadd.s32 $0x9F, s6;
	[dreg:$0x8] =	wrdreg s0  }
.LBB2_1:
0x12: {  	[dreg:$0x4] =	wrdreg s5  }
0x13: {  	s29 =	rddreg [dreg:$0x8]  }
0x14: {  	s30 =	rddreg [dreg:$0x7];
	s31 =	simm.s32 $0x0  }
.LBB2_2:
0x15: {  	s0 =	smul.u32 $0xA0, s31;
	_ =	sdelay $0x1  }
0x16: {  	s2 =	sadd.s32 s6, s0  }
0x17: {  	s5 =	rddreg [dreg:$0x5];
	s3 =	sshll.u32 s2, $0x4  }
0x18: {  	s12 =	simm.s32 $0x0;
	s3 =	sadd.s32 s5, s3  }
0x19: {  	[tilespmem:s12], [sflag:$0x5] =	stream.linear.gather [hbm4b:s3+s12], $0x5000, $0x38;
	[tilespmem:$0x15000] =	vst v63  }
0x1a: {  	_ =	swait.ge [sflag:s15], $0x5000  }
0x1b: {  	[sflag:s15] =	ssyncset.done $0x0  }
0x1c: {  	[sflag:s15] =	ssyncadd.s32 $0xFFFFB000  }
0x1d: {  	[tilespmem:s17], [sflag:$0x1] =	stream.indirect.gather [hbm4b:s4+s16], $0x80, s12, s16, $0xb8;
	[tilespmem:$0x15000] =	vst v63  }
0x1e: {  	_ = 	snop  }
0x1f: {  	[tilespmem:s19], [sflag:$0x2] =	stream.indirect.gather [hbm4b:s4+s16], $0x80, s16, s16, $0xb8;
	[tilespmem:$0x15000] =	vst v63  }
0x20: {  	_ =	swait.ge [sflag:s20], $0x4000  }
0x21: {  	[sflag:s20] =	ssyncset.done $0x0  }
0x22: {  	[sflag:s20] =	ssyncadd.s32 $0xFFFFC000  }
0x23: {  	[spmem:s7] =	stream.linear.scatter [tilespmem:s17], [sflag:$0x5], $0x4000, $0x38;
	[tilespmem:$0x15000] =	vst v63  }
0x24: {  	_ =	swait.ge [sflag:s15], $0x4000  }
0x25: {  	s2 =	sshll.u32 s2, $0xB;
	[sflag:s15] =	ssyncset.done $0x0  }
0x26: {  	s2 =	sadd.s32 s1, s2;
	s12 =	simm.s32 $0x100;
	[sflag:s15] =	ssyncadd.s32 $0xFFFFC000  }
0x27: {  	[hbm:s2], [sflag:s21] =	dma.local [spmem:s22], $0x800  }
0x28: {  	[tilespmem:s17], [sflag:$0x1] =	stream.indirect.gather [hbm4b:s4+s16], $0x80, s12, s16, $0xb8;
	[tilespmem:$0x15000] =	vst v63  }
0x29: {  	_ =	swait.ge [sflag:s24], $0x4000  }
0x2a: {  	[sflag:s24] =	ssyncset.done $0x0  }
0x2b: {  	s13 =	sadd.s32 s0, s9;
	[sflag:s24] =	ssyncadd.s32 $0xFFFFC000  }
0x2c: {  	[spmem:s8] =	stream.linear.scatter [tilespmem:s19], [sflag:$0x5], $0x4000, $0x38;
	[tilespmem:$0x15000] =	vst v63  }
0x2d: {  	s14 =	simm.s32 $0x180;
	s2 =	sshll.u32 s13, $0xB;
	_ =	swait.ge [sflag:s15], $0x4000  }
0x2e: {  	s3 =	sor.u32 $0x1C04, s18;
	s2 =	sand.u32 $0x1FFF0800, s2;
	[sflag:s15] =	ssyncset.done $0x0  }
0x2f: {  	s12 =	sshrl.u32 s8, $0x3;
	s2 =	sadd.s32 s1, s2;
	[sflag:s15] =	ssyncadd.s32 $0xFFFFC000  }
0x30: {  	[hbm:s2], [sflag:s3] =	dma.local [spmem:s12], $0x800  }
0x31: {  	[tilespmem:s19], [sflag:$0x2] =	stream.indirect.gather [hbm4b:s4+s16], $0x80, s14, s16, $0xb8;
	[tilespmem:$0x15000] =	vst v63  }
0x32: {  	_ =	swait.ge [sflag:s20], $0x4000  }
0x33: {  	[sflag:s20] =	ssyncset.done $0x0  }
0x34: {  	[sflag:s20] =	ssyncadd.s32 $0xFFFFC000  }
0x35: {  	_ =	swait.ge [sflag:s26], $0x800  }
0x36: {  	[sflag:s26] =	ssyncset.done $0x0  }
0x37: {  	[sflag:s26] =	ssyncadd.s32 $0xFFFFF800  }
0x38: {  	[spmem:s7] =	stream.linear.scatter [tilespmem:s17], [sflag:$0x5], $0x4000, $0x38;
	[tilespmem:$0x15000] =	vst v63  }
0x39: {  	_ =	swait.ge [sflag:s15], $0x4000  }
0x3a: {  	[sflag:s15] =	ssyncset.done $0x0  }
0x3b: {  	s23 =	sadd.s32 $0x0, s29;
	s13 =	simm.s32 $0x200;
	[sflag:s15] =	ssyncadd.s32 $0xFFFFC000  }
0x3c: {  	[hbm:s23], [sflag:s21] =	dma.local [spmem:s22], $0x800  }
0x3d: {  	[tilespmem:s17], [sflag:$0x1] =	stream.indirect.gather [hbm4b:s4+s16], $0x80, s13, s16, $0xb8;
	[tilespmem:$0x15000] =	vst v63  }
0x3e: {  	_ =	swait.ge [sflag:s24], $0x4000  }
0x3f: {  	[sflag:s24] =	ssyncset.done $0x0  }
0x40: {  	[sflag:s24] =	ssyncadd.s32 $0xFFFFC000  }
0x41: {  	_ =	swait.ge [sflag:s28], $0x800  }
0x42: {  	[sflag:s28] =	ssyncset.done $0x0  }
0x43: {  	[sflag:s28] =	ssyncadd.s32 $0xFFFFF800  }
0x44: {  	[spmem:s8] =	stream.linear.scatter [tilespmem:s19], [sflag:$0x5], $0x4000, $0x38;
	[tilespmem:$0x15000] =	vst v63  }
0x45: {  	_ =	swait.ge [sflag:s15], $0x4000  }
0x46: {  	s25 =	sadd.s32 $0x0, s30;
	s2 =	simm.s32 $0x280;
	[sflag:s15] =	ssyncset.done $0x0  }
0x47: {  	s14 =	simm.s32 $0x380;
	s13 =	simm.s32 $0x1000;
	[sflag:s15] =	ssyncadd.s32 $0xFFFFC000  }
0x48: {  	[hbm:s25], [sflag:s3] =	dma.local [spmem:s12], $0x800  }
.LBB2_3:
0x49: {  	[tilespmem:s19], [sflag:$0x2] =	stream.indirect.gather [hbm4b:s4+s16], $0x80, s2, s16, $0xb8;
	[tilespmem:$0x15000] =	vst v63  }
0x4a: {  	p0 =	sne.s32 s13, $0x4D000;
	s23 =	smov.u32 s13;
	s13 =	sadd.s32 $0x1000, s13  }
0x4b: {  	s2 =	smov.u32 s14;
	_ =	swait.ge [sflag:s20], $0x4000  }
0x4c: {  	[sflag:s20] =	ssyncset.done $0x0  }
0x4d: {  	[sflag:s20] =	ssyncadd.s32 $0xFFFFC000  }
0x4e: {  	_ =	swait.ge [sflag:s26], $0x800  }
0x4f: {  	[sflag:s26] =	ssyncset.done $0x0  }
0x50: {  	[sflag:s26] =	ssyncadd.s32 $0xFFFFF800  }
0x51: {  	[spmem:s7] =	stream.linear.scatter [tilespmem:s17], [sflag:$0x5], $0x4000, $0x38;
	[tilespmem:$0x15000] =	vst v63  }
0x52: {  	_ =	swait.ge [sflag:s15], $0x4000  }
0x53: {  	[sflag:s15] =	ssyncset.done $0x0  }
0x54: {  	s5 =	sadd.s32 $0xFFFFFF80, s14;
	s25 =	sadd.s32 s23, s29;
	[sflag:s15] =	ssyncadd.s32 $0xFFFFC000  }
0x55: {  	[hbm:s25], [sflag:s21] =	dma.local [spmem:s22], $0x800  }
0x56: {  	[tilespmem:s17], [sflag:$0x1] =	stream.indirect.gather [hbm4b:s4+s16], $0x80, s5, s16, $0xb8;
	[tilespmem:$0x15000] =	vst v63  }
0x57: {  	_ =	swait.ge [sflag:s24], $0x4000  }
0x58: {  	[sflag:s24] =	ssyncset.done $0x0  }
0x59: {  	[sflag:s24] =	ssyncadd.s32 $0xFFFFC000  }
0x5a: {  	_ =	swait.ge [sflag:s28], $0x800  }
0x5b: {  	[sflag:s28] =	ssyncset.done $0x0  }
0x5c: {  	[sflag:s28] =	ssyncadd.s32 $0xFFFFF800  }
0x5d: {  	[spmem:s8] =	stream.linear.scatter [tilespmem:s19], [sflag:$0x5], $0x4000, $0x38;
	[tilespmem:$0x15000] =	vst v63  }
.Ltmp0:
0x5e: {  	_ = 	snop;
	(pc) =	sbr.rel @p0 .LBB2_3-.Ltmp0, $4  }
0x5f: {  	_ =	swait.ge [sflag:s15], $0x4000  }
0x60: {  	[sflag:s15] =	ssyncset.done $0x0  }
0x61: {  	s14 =	sadd.s32 $0x100, s14;
	s5 =	sadd.s32 s23, s30;
	[sflag:s15] =	ssyncadd.s32 $0xFFFFC000  }
0x62: {  	[hbm:s5], [sflag:s3] =	dma.local [spmem:s12], $0x800  }
0x63: {  	[tilespmem:s19], [sflag:$0x2] =	stream.indirect.gather [hbm4b:s4+s16], $0x80, s2, s16, $0xb8;
	[tilespmem:$0x15000] =	vst v63  }
0x64: {  	_ =	swait.ge [sflag:s20], $0x4000  }
0x65: {  	[sflag:s20] =	ssyncset.done $0x0  }
0x66: {  	[sflag:s20] =	ssyncadd.s32 $0xFFFFC000  }
0x67: {  	_ =	swait.ge [sflag:s26], $0x800  }
0x68: {  	[sflag:s26] =	ssyncset.done $0x0  }
0x69: {  	s23 =	sadd.s32 s0, s10;
	[sflag:s26] =	ssyncadd.s32 $0xFFFFF800  }
0x6a: {  	[spmem:s7] =	stream.linear.scatter [tilespmem:s17], [sflag:$0x5], $0x4000, $0x38;
	[tilespmem:$0x15000] =	vst v63  }
0x6b: {  	s2 =	sshll.u32 s23, $0xB;
	_ =	swait.ge [sflag:s15], $0x4000  }
0x6c: {  	s2 =	sand.u32 $0x1FFFF000, s2;
	[sflag:s15] =	ssyncset.done $0x0  }
0x6d: {  	s2 =	sadd.s32 s1, s2;
	[sflag:s15] =	ssyncadd.s32 $0xFFFFC000  }
0x6e: {  	[hbm:s2], [sflag:s21] =	dma.local [spmem:s22], $0x800  }
0x6f: {  	_ =	swait.ge [sflag:s24], $0x4000  }
0x70: {  	[sflag:s24] =	ssyncset.done $0x0  }
0x71: {  	[sflag:s24] =	ssyncadd.s32 $0xFFFFC000  }
0x72: {  	_ =	swait.ge [sflag:s28], $0x800  }
0x73: {  	[sflag:s28] =	ssyncset.done $0x0  }
0x74: {  	s25 =	sadd.s32 s0, s11;
	[sflag:s28] =	ssyncadd.s32 $0xFFFFF800  }
0x75: {  	[spmem:s8] =	stream.linear.scatter [tilespmem:s19], [sflag:$0x5], $0x4000, $0x38;
	[tilespmem:$0x15000] =	vst v63  }
0x76: {  	s0 =	sshll.u32 s25, $0xB;
	_ =	swait.ge [sflag:s15], $0x4000  }
0x77: {  	s0 =	sand.u32 $0x1FFFF800, s0;
	[sflag:s15] =	ssyncset.done $0x0  }
0x78: {  	s31 =	sadd.s32 $0x1, s31;
	s0 =	sadd.s32 s1, s0;
	[sflag:s15] =	ssyncadd.s32 $0xFFFFC000  }
0x79: {  	[hbm:s0], [sflag:s3] =	dma.local [spmem:s12], $0x800  }
0x7a: {  	p0 =	sne.s32 s31, $0x5;
	_ =	swait.ge [sflag:s26], $0x800  }
.Ltmp1:
0x7b: {  	[sflag:s26] =	ssyncset.done $0x0;
	(pc) =	sbr.rel @p0 .LBB2_2-.Ltmp1, $4  }
0x7c: {  	[sflag:s26] =	ssyncadd.s32 $0xFFFFF800  }
0x7d: {  	_ =	swait.ge [sflag:s28], $0x800  }
0x7e: {  	[sflag:s28] =	ssyncset.done $0x0  }
0x7f: {  	s30 =	sadd.s32 $0x50000, s30;
	s29 =	sadd.s32 $0x50000, s29;
	[sflag:s28] =	ssyncadd.s32 $0xFFFFF800  }
0x80: {  	s5 =	rddreg [dreg:$0x4]  }
0x81: {  	s0 =	rddreg [dreg:$0x6];
	s5 =	sadd.s32 $0x1, s5  }
0x82: {  	p0 =	sne.s32 s5, s0  }
.Ltmp2:
0x83: {  	_ = 	snop;
	(pc) =	sbr.rel @p0 .LBB2_1-.Ltmp2, $1  }
0x84: {  	_ =	sdelay $0x3  }
0x85: {  	_ =	sfence.sel $0x180000  }
0x86: {  	[bflag:$0x0] =	sbarrier.arrive $0xFFFF  }
0x87: {  	_ =	strace $0x90000047  }
0x88: {  	s0 =	stileid.u32;
	[bflag:$0x2] =	sbarrier.arrive $0xFFFF  }
0x89: {  	p0 =	sne.s32 s0, $0x0;
	s0 =	rddreg [dreg:$0x3]  }
0x8a: {  	s0 =	sadd.s32 @!p0 $0x100000, s0  }
0x8b: {  	[sflag:s0] =	ssyncadd.tile.s32 @!p0 $0x1;
	_ =	shalt  }
.Lfunc_end2:
_tile_overlayer_lowered:
.L_overlay_start_2:
0x8c: {  	(tag) =	ssettag $0x2  }
0x8d: {  	s0 =	rddreg [dreg:$0x0];
	s2 =	stileid.u32  }
0x8e: {  	s1 =	rddreg [dreg:$0x1];
	p0 =	sne.s32 s2, $0x0  }
0x8f: {  	s3 =	rddreg [dreg:$0x2];
	[bflag:$0x3] =	sbarrier.arrive $0xFFFF;
	s2 =	simm.s32 @!p0 $0x1C05  }
0x90: {  	[timem:s3], [sflag:s2] =	dma.local @!p0 [hbm:s0], s1  }
0x91: {  	s0 =	simm.s32 @!p0 $0x5  }
0x92: {  	_ =	swait.ge @!p0 [sflag:s0], s1  }
0x93: {  	s1 =	ssub.s32 @!p0 $0x0, s1;
	[sflag:s0] =	ssyncset.done @!p0 $0x0  }
0x94: {  	[sflag:s0] =	ssyncadd.s32 @!p0 s1  }
0x95: {  	[bflag:$0x3] =	sbarrier.arrive $0xFFFF  }
0x96: {  	_ =	shalt  }

</sc_bundles>
